<compile_context>
chip_gen: v7x
topology: tpu7x:2x2x1
jax: 0.10.2.dev20260603
libtpu: 0.0.44.dev20260713+nightly
codegen_flags: <defaults>
</compile_context>

<pallas_src>
import jax
import jax.numpy as jnp
from jax import lax
from jax.experimental import pallas as pl
from jax.experimental.pallas import tpu as pltpu
from jax.experimental.pallas import tpu_sc as plsc

_B = 4096
_L = 200
_D = 64
_ASP = 14
_LANES = 128

_NC = 2
_NS = 16
_NW = _NC * _NS
_RPW = _B // _NW
_VREGS = _D // 16
_LA = 128
_LB = _L - _LA
_OFF = _LANES - _LB


def _pool_body(xa_hbm, xb_hbm, table_hbm, out_hbm, idxa_v, idxb_v,
               bufa0, bufb0, bufa1, bufb1, pooled_v, sem0, sem1):
    c = lax.axis_index("c")
    s = lax.axis_index("s")
    wid = s * _NC + c
    base = wid * _RPW
    pltpu.sync_copy(xa_hbm.at[pl.ds(base, _RPW)], idxa_v)
    pltpu.sync_copy(xb_hbm.at[pl.ds(base, _RPW)], idxb_v)

    def start(r, bufa, bufb, sem):
        pltpu.async_copy(table_hbm.at[idxa_v.at[r]], bufa, sem)
        pltpu.async_copy(
            table_hbm.at[idxb_v.at[r, pl.ds(_OFF, _LB)]], bufb, sem)

    def wait(r, bufa, bufb, sem):
        pltpu.make_async_copy(table_hbm.at[idxa_v.at[r]], bufa, sem).wait()
        pltpu.make_async_copy(
            table_hbm.at[idxb_v.at[r, pl.ds(_OFF, _LB)]], bufb, sem).wait()

    def rowsum(bufa, bufb, r):
        def jbody_a(j, accs):
            out = []
            for u in range(2):
                for k in range(_VREGS):
                    out.append(accs[u * _VREGS + k]
                               + bufa[2 * j + u, pl.ds(k * 16, 16)])
            return tuple(out)

        def jbody_b(j, accs):
            out = []
            for u in range(2):
                for k in range(_VREGS):
                    out.append(accs[u * _VREGS + k]
                               + bufb[2 * j + u, pl.ds(k * 16, 16)])
            return tuple(out)

        accs = tuple(jnp.zeros((16,), jnp.float32) for _ in range(2 * _VREGS))
        accs = lax.fori_loop(0, _LA // 2, jbody_a, accs)
        accs = lax.fori_loop(0, _LB // 2, jbody_b, accs)
        for k in range(_VREGS):
            pooled_v[r, pl.ds(k * 16, 16)] = accs[k] + accs[_VREGS + k]

    start(0, bufa0, bufb0, sem0)

    def pair_body(i, carry):
        r0 = 2 * i
        r1 = r0 + 1
        start(r1, bufa1, bufb1, sem1)
        wait(r0, bufa0, bufb0, sem0)
        rowsum(bufa0, bufb0, r0)

        @pl.when(i < _RPW // 2 - 1)
        def _():
            start(r0 + 2, bufa0, bufb0, sem0)

        wait(r1, bufa1, bufb1, sem1)
        rowsum(bufa1, bufb1, r1)
        return carry

    lax.fori_loop(0, _RPW // 2, pair_body, 0)
    pltpu.sync_copy(pooled_v, out_hbm.at[pl.ds(base, _RPW)])


@jax.jit
def _pool(xa, xb, table):
    mesh = plsc.VectorSubcoreMesh(core_axis_name="c", subcore_axis_name="s",
                                  num_cores=_NC)
    return pl.kernel(
        _pool_body,
        mesh=mesh,
        compiler_params=pltpu.CompilerParams(use_tc_tiling_on_sc=False),
        out_type=jax.ShapeDtypeStruct((_B, _D), jnp.float32),
        scratch_types=[
            pltpu.VMEM((_RPW, _LANES), jnp.int32),
            pltpu.VMEM((_RPW, _LANES), jnp.int32),
            pltpu.VMEM((_LA, _D), jnp.float32),
            pltpu.VMEM((_LB, _D), jnp.float32),
            pltpu.VMEM((_LA, _D), jnp.float32),
            pltpu.VMEM((_LB, _D), jnp.float32),
            pltpu.VMEM((_RPW, _D), jnp.float32),
            pltpu.SemaphoreType.DMA,
            pltpu.SemaphoreType.DMA,
        ],
    )(xa, xb, table)


def _head_body(pooled_ref, len_ref, w_ref, b_ref, o_ref):
    p = pooled_ref[...] / len_ref[...]
    logits = jnp.dot(p, w_ref[...], preferred_element_type=jnp.float32)
    logits = logits + b_ref[...]
    m = jnp.max(logits, axis=-1, keepdims=True)
    e = jnp.exp(logits - m)
    o_ref[...] = e / jnp.sum(e, axis=-1, keepdims=True)


@jax.jit
def _head(pooled, lens, w_pad, b_pad):
    return pl.pallas_call(
        _head_body,
        out_shape=jax.ShapeDtypeStruct((_B, _LANES), jnp.float32),
    )(pooled, lens, w_pad, b_pad)


def kernel(x, x_len, table, W, b):
    xi = x.astype(jnp.int32)
    xa = xi[:, :_LANES]
    xb = xi[:, _L - _LANES:_L]
    pooled = _pool(xa, xb, table)
    lens = x_len.astype(jnp.float32).reshape(_B, 1)
    w_pad = jnp.pad(W, ((0, 0), (0, _LANES - _ASP)))
    b_pad = jnp.concatenate(
        [b, jnp.full((_LANES - _ASP,), -1e30, jnp.float32)]).reshape(1, _LANES)
    out = _head(pooled, lens, w_pad, b_pad)
    return out[:, :_ASP]

# --- scband reference (transcript-rebuilt; emitter-appended) ---
"""Pipeline reference for scband-student-42185168781818 (READ-ONLY COPY).

The authoritative reference and input builder live on the scoring server;
editing this copy changes nothing except your own understanding.
"""

import jax, jax.numpy as jnp
import numpy as np

VOCAB = 1000002  # 1M words + 2 general tags (pad=0, unk=1)
DIM = 64         # pretrained_dim / word2vec emb_dim
ASP = 14         # num_aspect
B = 4096
L = 200


def setup_inputs(seed: int = 0) -> dict:
    key = jax.random.key(seed)
    k1, k2, k3, k4 = jax.random.split(key, 4)
    x = jax.random.randint(k1, (B, L), 0, VOCAB)
    x_len = jax.random.randint(k2, (B,), 1, L + 1)
    table = jax.random.normal(k3, (VOCAB, DIM), dtype=jnp.float32) * 0.02
    table = table.at[0].set(0.0)  # padding_idx=0 is zero vector
    # fc: Linear(pretrained_dim, num_aspect), xavier_uniform weight, zero bias
    limit = float(np.sqrt(6.0 / (DIM + ASP)))
    W = jax.random.uniform(k4, (DIM, ASP), minval=-limit, maxval=limit, dtype=jnp.float32)
    b = jnp.zeros((ASP,), dtype=jnp.float32)
    return {"x": x, "x_len": x_len, "table": table, "W": W, "b": b}


def reference(x, x_len, table, W, b):
    # word2vec branch: emb lookup -> sum over seq -> divide by actual length
    emb = jnp.take(table, x, axis=0)                      # [B, L, D]
    pooled = emb.sum(axis=1) / x_len.reshape(-1, 1).astype(jnp.float32)  # [B, D]
    # F.dropout treated as identity (deterministic reference / eval)
    logits = pooled @ W + b                               # [B, ASP]
    return jax.nn.softmax(logits, axis=-1)

if __name__ == "__main__":
    import jax
    _d = setup_inputs()
    print(jax.jit(kernel)(*tuple(_d.values())))

</pallas_src>

<mosaic_0001>
#map = affine_map<(d0, d1) -> (0, 0)>
module attributes {stable_mosaic.version = 14 : i64} {
  func.func @_pool_body(%arg0: i32, %arg1: i32, %arg2: memref<4096x128xi32, #tpu.memory_space<hbm>>, %arg3: memref<4096x128xi32, #tpu.memory_space<hbm>>, %arg4: memref<1000002x64xf32, #tpu.memory_space<hbm>>, %arg5: memref<4096x64xf32, #tpu.memory_space<hbm>>, %arg6: memref<128x128xi32, #tpu.memory_space<vmem>>, %arg7: memref<128x128xi32, #tpu.memory_space<vmem>>, %arg8: memref<128x64xf32, #tpu.memory_space<vmem>>, %arg9: memref<72x64xf32, #tpu.memory_space<vmem>>, %arg10: memref<128x64xf32, #tpu.memory_space<vmem>>, %arg11: memref<72x64xf32, #tpu.memory_space<vmem>>, %arg12: memref<128x64xf32, #tpu.memory_space<vmem>>, %arg13: memref<!tpu.dma_semaphore, #tpu.memory_space<semaphore_mem>>, %arg14: memref<!tpu.dma_semaphore, #tpu.memory_space<semaphore_mem>>) attributes {dimension_semantics = [#tpu.dimension_semantics<core_parallel>, #tpu.dimension_semantics<subcore_parallel>], iteration_bounds = array<i64: 2, 16>, scalar_prefetch = 0 : i64, scratch_operands = 9 : i64, tpu.core_type = #tpu.core_type<sc_vector_subcore>, window_params = [{transform_indices = #map}, {transform_indices = #map}, {transform_indices = #map}, {transform_indices = #map}]} {
    %mul3A = arith.constant 2 : i32
    %mul3A_0 = arith.muli %arg1, %mul3A : i32
    %add3A = arith.addi %mul3A_0, %arg0 : i32
    %mul3A_1 = arith.constant 128 : i32
    %mul3A_2 = arith.muli %add3A, %mul3A_1 : i32
    "tpu.region"() ({
      %run_scoped3A = tpu.sem_alloc : memref<!tpu.dma_semaphore, #tpu.memory_space<semaphore_mem>>
      %dma_start3A_21 = arith.constant 0 : i32
      %dma_start3A_22 = tpu.memref_slice %arg2[%mul3A_2, %dma_start3A_21] : memref<4096x128xi32, #tpu.memory_space<hbm>> -> memref<128x128xi32, #tpu.memory_space<hbm>>
      %dma_start3A_23 = arith.constant 0 : i32
      %dma_start3A_24 = tpu.memref_slice %arg2[%mul3A_2, %dma_start3A_23] : memref<4096x128xi32, #tpu.memory_space<hbm>> -> memref<128x128xi32, #tpu.memory_space<hbm>>
      tpu.enqueue_dma source(%dma_start3A_24 : memref<128x128xi32, #tpu.memory_space<hbm>>) target(%arg6 : memref<128x128xi32, #tpu.memory_space<vmem>>) target_semaphore(%run_scoped3A : memref<!tpu.dma_semaphore, #tpu.memory_space<semaphore_mem>>)
      %dma_wait3A = arith.constant 0 : i32
      %dma_wait3A_25 = tpu.memref_slice %arg2[%mul3A_2, %dma_wait3A] : memref<4096x128xi32, #tpu.memory_space<hbm>> -> memref<128x128xi32, #tpu.memory_space<hbm>>
      %dma_wait3A_26 = arith.constant 0 : i32
      %dma_wait3A_27 = tpu.memref_slice %arg2[%mul3A_2, %dma_wait3A_26] : memref<4096x128xi32, #tpu.memory_space<hbm>> -> memref<128x128xi32, #tpu.memory_space<hbm>>
      tpu.wait_dma2 semaphore(%run_scoped3A : memref<!tpu.dma_semaphore, #tpu.memory_space<semaphore_mem>>) src(%dma_wait3A_27 : memref<128x128xi32, #tpu.memory_space<hbm>>) dst(%arg6 : memref<128x128xi32, #tpu.memory_space<vmem>>)
      tpu.yield
    }) : () -> ()
    "tpu.region"() ({
      %run_scoped3A = tpu.sem_alloc : memref<!tpu.dma_semaphore, #tpu.memory_space<semaphore_mem>>
      %dma_start3A_21 = arith.constant 0 : i32
      %dma_start3A_22 = tpu.memref_slice %arg3[%mul3A_2, %dma_start3A_21] : memref<4096x128xi32, #tpu.memory_space<hbm>> -> memref<128x128xi32, #tpu.memory_space<hbm>>
      %dma_start3A_23 = arith.constant 0 : i32
      %dma_start3A_24 = tpu.memref_slice %arg3[%mul3A_2, %dma_start3A_23] : memref<4096x128xi32, #tpu.memory_space<hbm>> -> memref<128x128xi32, #tpu.memory_space<hbm>>
      tpu.enqueue_dma source(%dma_start3A_24 : memref<128x128xi32, #tpu.memory_space<hbm>>) target(%arg7 : memref<128x128xi32, #tpu.memory_space<vmem>>) target_semaphore(%run_scoped3A : memref<!tpu.dma_semaphore, #tpu.memory_space<semaphore_mem>>)
      %dma_wait3A = arith.constant 0 : i32
      %dma_wait3A_25 = tpu.memref_slice %arg3[%mul3A_2, %dma_wait3A] : memref<4096x128xi32, #tpu.memory_space<hbm>> -> memref<128x128xi32, #tpu.memory_space<hbm>>
      %dma_wait3A_26 = arith.constant 0 : i32
      %dma_wait3A_27 = tpu.memref_slice %arg3[%mul3A_2, %dma_wait3A_26] : memref<4096x128xi32, #tpu.memory_space<hbm>> -> memref<128x128xi32, #tpu.memory_space<hbm>>
      tpu.wait_dma2 semaphore(%run_scoped3A : memref<!tpu.dma_semaphore, #tpu.memory_space<semaphore_mem>>) src(%dma_wait3A_27 : memref<128x128xi32, #tpu.memory_space<hbm>>) dst(%arg7 : memref<128x128xi32, #tpu.memory_space<vmem>>)
      tpu.yield
    }) : () -> ()
    %dma_start3A = arith.constant 0 : i32
    %dma_start3A_3 = arith.constant 0 : i32
    %dma_start3A_4 = tpu.memref_slice %arg6[%dma_start3A, %dma_start3A_3] : memref<128x128xi32, #tpu.memory_space<vmem>> -> memref<1x128xi32, #tpu.memory_space<vmem>>
    %dma_start3A_5 = tpu.memref_squeeze %dma_start3A_4 : memref<1x128xi32, #tpu.memory_space<vmem>> -> memref<128xi32, #tpu.memory_space<vmem>>
    %dma_start3A_6 = arith.constant 0 : i32
    %dma_start3A_7 = arith.constant 0 : i32
    %dma_start3A_8 = tpu.memref_slice %arg4[%dma_start3A_6, %dma_start3A_7] : memref<1000002x64xf32, #tpu.memory_space<hbm>> -> memref<1000002x64xf32, #tpu.memory_space<hbm>>
    tpu.enqueue_indirect_dma source(%dma_start3A_8 : memref<1000002x64xf32, #tpu.memory_space<hbm>>) target(%arg8 : memref<128x64xf32, #tpu.memory_space<vmem>>) offsets(%dma_start3A_5 : memref<128xi32, #tpu.memory_space<vmem>>) semaphore(%arg13 : memref<!tpu.dma_semaphore, #tpu.memory_space<semaphore_mem>>)
    %dma_start3A_9 = arith.constant 0 : i32
    %dma_start3A_10 = arith.constant 56 : i32
    %dma_start3A_11 = tpu.memref_slice %arg7[%dma_start3A_9, %dma_start3A_10] : memref<128x128xi32, #tpu.memory_space<vmem>> -> memref<1x72xi32, #tpu.memory_space<vmem>>
    %dma_start3A_12 = tpu.memref_squeeze %dma_start3A_11 : memref<1x72xi32, #tpu.memory_space<vmem>> -> memref<72xi32, #tpu.memory_space<vmem>>
    %dma_start3A_13 = arith.constant 0 : i32
    %dma_start3A_14 = arith.constant 0 : i32
    %dma_start3A_15 = tpu.memref_slice %arg4[%dma_start3A_13, %dma_start3A_14] : memref<1000002x64xf32, #tpu.memory_space<hbm>> -> memref<1000002x64xf32, #tpu.memory_space<hbm>>
    tpu.enqueue_indirect_dma source(%dma_start3A_15 : memref<1000002x64xf32, #tpu.memory_space<hbm>>) target(%arg9 : memref<72x64xf32, #tpu.memory_space<vmem>>) offsets(%dma_start3A_12 : memref<72xi32, #tpu.memory_space<vmem>>) semaphore(%arg13 : memref<!tpu.dma_semaphore, #tpu.memory_space<semaphore_mem>>)
    %scan3A = arith.constant 0 : i32
    %scan3A_16 = arith.constant 0 : i32
    %scan3A_17 = arith.constant 64 : i32
    %scan3A_18 = arith.addi %scan3A_16, %scan3A_17 : i32
    %scan3A_19 = arith.constant 1 : i32
    scf.for %scan3A_21 = %scan3A_16 to %scan3A_18 step %scan3A_19  : i32 {
      %mul3A_22 = arith.constant 2 : i32
      %mul3A_23 = arith.muli %mul3A_22, %scan3A_21 : i32
      %add3A_24 = arith.constant 1 : i32
      %add3A_25 = arith.addi %mul3A_23, %add3A_24 : i32
      %dma_start3A_26 = arith.constant 0 : i32
      %dma_start3A_27 = tpu.memref_slice %arg6[%add3A_25, %dma_start3A_26] : memref<128x128xi32, #tpu.memory_space<vmem>> -> memref<1x128xi32, #tpu.memory_space<vmem>>
      %dma_start3A_28 = tpu.memref_squeeze %dma_start3A_27 : memref<1x128xi32, #tpu.memory_space<vmem>> -> memref<128xi32, #tpu.memory_space<vmem>>
      %dma_start3A_29 = arith.constant 0 : i32
      %dma_start3A_30 = arith.constant 0 : i32
      %dma_start3A_31 = tpu.memref_slice %arg4[%dma_start3A_29, %dma_start3A_30] : memref<1000002x64xf32, #tpu.memory_space<hbm>> -> memref<1000002x64xf32, #tpu.memory_space<hbm>>
      tpu.enqueue_indirect_dma source(%dma_start3A_31 : memref<1000002x64xf32, #tpu.memory_space<hbm>>) target(%arg10 : memref<128x64xf32, #tpu.memory_space<vmem>>) offsets(%dma_start3A_28 : memref<128xi32, #tpu.memory_space<vmem>>) semaphore(%arg14 : memref<!tpu.dma_semaphore, #tpu.memory_space<semaphore_mem>>)
      %dma_start3A_32 = arith.constant 56 : i32
      %dma_start3A_33 = tpu.memref_slice %arg7[%add3A_25, %dma_start3A_32] : memref<128x128xi32, #tpu.memory_space<vmem>> -> memref<1x72xi32, #tpu.memory_space<vmem>>
      %dma_start3A_34 = tpu.memref_squeeze %dma_start3A_33 : memref<1x72xi32, #tpu.memory_space<vmem>> -> memref<72xi32, #tpu.memory_space<vmem>>
      %dma_start3A_35 = arith.constant 0 : i32
      %dma_start3A_36 = arith.constant 0 : i32
      %dma_start3A_37 = tpu.memref_slice %arg4[%dma_start3A_35, %dma_start3A_36] : memref<1000002x64xf32, #tpu.memory_space<hbm>> -> memref<1000002x64xf32, #tpu.memory_space<hbm>>
      tpu.enqueue_indirect_dma source(%dma_start3A_37 : memref<1000002x64xf32, #tpu.memory_space<hbm>>) target(%arg11 : memref<72x64xf32, #tpu.memory_space<vmem>>) offsets(%dma_start3A_34 : memref<72xi32, #tpu.memory_space<vmem>>) semaphore(%arg14 : memref<!tpu.dma_semaphore, #tpu.memory_space<semaphore_mem>>)
      %dma_wait3A = arith.constant 0 : i32
      %dma_wait3A_38 = tpu.memref_slice %arg6[%mul3A_23, %dma_wait3A] : memref<128x128xi32, #tpu.memory_space<vmem>> -> memref<1x128xi32, #tpu.memory_space<vmem>>
      %dma_wait3A_39 = tpu.memref_squeeze %dma_wait3A_38 : memref<1x128xi32, #tpu.memory_space<vmem>> -> memref<128xi32, #tpu.memory_space<vmem>>
      %dma_wait3A_40 = arith.constant 0 : i32
      %dma_wait3A_41 = arith.constant 0 : i32
      %dma_wait3A_42 = tpu.memref_slice %arg4[%dma_wait3A_40, %dma_wait3A_41] : memref<1000002x64xf32, #tpu.memory_space<hbm>> -> memref<1000002x64xf32, #tpu.memory_space<hbm>>
      tpu.wait_indirect_dma semaphore(%arg13 : memref<!tpu.dma_semaphore, #tpu.memory_space<semaphore_mem>>) src(%dma_wait3A_42 : memref<1000002x64xf32, #tpu.memory_space<hbm>>) dst(%arg8 : memref<128x64xf32, #tpu.memory_space<vmem>>)
      %dma_wait3A_43 = arith.constant 56 : i32
      %dma_wait3A_44 = tpu.memref_slice %arg7[%mul3A_23, %dma_wait3A_43] : memref<128x128xi32, #tpu.memory_space<vmem>> -> memref<1x72xi32, #tpu.memory_space<vmem>>
      %dma_wait3A_45 = tpu.memref_squeeze %dma_wait3A_44 : memref<1x72xi32, #tpu.memory_space<vmem>> -> memref<72xi32, #tpu.memory_space<vmem>>
      %dma_wait3A_46 = arith.constant 0 : i32
      %dma_wait3A_47 = arith.constant 0 : i32
      %dma_wait3A_48 = tpu.memref_slice %arg4[%dma_wait3A_46, %dma_wait3A_47] : memref<1000002x64xf32, #tpu.memory_space<hbm>> -> memref<1000002x64xf32, #tpu.memory_space<hbm>>
      tpu.wait_indirect_dma semaphore(%arg13 : memref<!tpu.dma_semaphore, #tpu.memory_space<semaphore_mem>>) src(%dma_wait3A_48 : memref<1000002x64xf32, #tpu.memory_space<hbm>>) dst(%arg9 : memref<72x64xf32, #tpu.memory_space<vmem>>)
      %broadcast_in_dim3A = arith.constant 0.000000e+00 : f32
      %broadcast_in_dim3A_49 = vector.broadcast %broadcast_in_dim3A : f32 to vector<16xf32>
      %broadcast_in_dim3A_50 = arith.constant 0.000000e+00 : f32
      %broadcast_in_dim3A_51 = vector.broadcast %broadcast_in_dim3A_50 : f32 to vector<16xf32>
      %broadcast_in_dim3A_52 = arith.constant 0.000000e+00 : f32
      %broadcast_in_dim3A_53 = vector.broadcast %broadcast_in_dim3A_52 : f32 to vector<16xf32>
      %broadcast_in_dim3A_54 = arith.constant 0.000000e+00 : f32
      %broadcast_in_dim3A_55 = vector.broadcast %broadcast_in_dim3A_54 : f32 to vector<16xf32>
      %broadcast_in_dim3A_56 = arith.constant 0.000000e+00 : f32
      %broadcast_in_dim3A_57 = vector.broadcast %broadcast_in_dim3A_56 : f32 to vector<16xf32>
      %broadcast_in_dim3A_58 = arith.constant 0.000000e+00 : f32
      %broadcast_in_dim3A_59 = vector.broadcast %broadcast_in_dim3A_58 : f32 to vector<16xf32>
      %broadcast_in_dim3A_60 = arith.constant 0.000000e+00 : f32
      %broadcast_in_dim3A_61 = vector.broadcast %broadcast_in_dim3A_60 : f32 to vector<16xf32>
      %broadcast_in_dim3A_62 = arith.constant 0.000000e+00 : f32
      %broadcast_in_dim3A_63 = vector.broadcast %broadcast_in_dim3A_62 : f32 to vector<16xf32>
      %scan3A_64 = arith.constant 0 : i32
      %scan3A_65 = arith.constant 64 : i32
      %scan3A_66 = arith.addi %scan3A_64, %scan3A_65 : i32
      %scan3A_67 = arith.constant 1 : i32
      %scan3A_68:8 = scf.for %scan3A_165 = %scan3A_64 to %scan3A_66 step %scan3A_67 iter_args(%scan3A_166 = %broadcast_in_dim3A_49, %scan3A_167 = %broadcast_in_dim3A_51, %scan3A_168 = %broadcast_in_dim3A_53, %scan3A_169 = %broadcast_in_dim3A_55, %scan3A_170 = %broadcast_in_dim3A_57, %scan3A_171 = %broadcast_in_dim3A_59, %scan3A_172 = %broadcast_in_dim3A_61, %scan3A_173 = %broadcast_in_dim3A_63) -> (vector<16xf32>, vector<16xf32>, vector<16xf32>, vector<16xf32>, vector<16xf32>, vector<16xf32>, vector<16xf32>, vector<16xf32>)  : i32 {
        %mul3A_174 = arith.constant 2 : i32
        %mul3A_175 = arith.muli %mul3A_174, %scan3A_165 : i32
        %add3A_176 = arith.constant 0 : i32
        %add3A_177 = arith.addi %mul3A_175, %add3A_176 : i32
        %get3A = arith.index_cast %add3A_177 : i32 to index
        %get3A_178 = arith.constant 0 : index
        %get3A_179 = tpu.vector_load %arg8[%get3A, %get3A_178] {strides = array<i32>} : memref<128x64xf32, #tpu.memory_space<vmem>>, vector<1x16xf32>,
        %get3A_180 = vector.shape_cast %get3A_179 : vector<1x16xf32> to vector<16xf32>
        %add3A_181 = arith.addf %scan3A_166, %get3A_180 : vector<16xf32>
        %mul3A_182 = arith.constant 2 : i32
        %mul3A_183 = arith.muli %mul3A_182, %scan3A_165 : i32
        %add3A_184 = arith.constant 0 : i32
        %add3A_185 = arith.addi %mul3A_183, %add3A_184 : i32
        %get3A_186 = arith.index_cast %add3A_185 : i32 to index
        %get3A_187 = arith.constant 16 : index
        %get3A_188 = tpu.vector_load %arg8[%get3A_186, %get3A_187] {strides = array<i32>} : memref<128x64xf32, #tpu.memory_space<vmem>>, vector<1x16xf32>,
        %get3A_189 = vector.shape_cast %get3A_188 : vector<1x16xf32> to vector<16xf32>
        %add3A_190 = arith.addf %scan3A_167, %get3A_189 : vector<16xf32>
        %mul3A_191 = arith.constant 2 : i32
        %mul3A_192 = arith.muli %mul3A_191, %scan3A_165 : i32
        %add3A_193 = arith.constant 0 : i32
        %add3A_194 = arith.addi %mul3A_192, %add3A_193 : i32
        %get3A_195 = arith.index_cast %add3A_194 : i32 to index
        %get3A_196 = arith.constant 32 : index
        %get3A_197 = tpu.vector_load %arg8[%get3A_195, %get3A_196] {strides = array<i32>} : memref<128x64xf32, #tpu.memory_space<vmem>>, vector<1x16xf32>,
        %get3A_198 = vector.shape_cast %get3A_197 : vector<1x16xf32> to vector<16xf32>
        %add3A_199 = arith.addf %scan3A_168, %get3A_198 : vector<16xf32>
        %mul3A_200 = arith.constant 2 : i32
        %mul3A_201 = arith.muli %mul3A_200, %scan3A_165 : i32
        %add3A_202 = arith.constant 0 : i32
        %add3A_203 = arith.addi %mul3A_201, %add3A_202 : i32
        %get3A_204 = arith.index_cast %add3A_203 : i32 to index
        %get3A_205 = arith.constant 48 : index
        %get3A_206 = tpu.vector_load %arg8[%get3A_204, %get3A_205] {strides = array<i32>} : memref<128x64xf32, #tpu.memory_space<vmem>>, vector<1x16xf32>,
        %get3A_207 = vector.shape_cast %get3A_206 : vector<1x16xf32> to vector<16xf32>
        %add3A_208 = arith.addf %scan3A_169, %get3A_207 : vector<16xf32>
        %mul3A_209 = arith.constant 2 : i32
        %mul3A_210 = arith.muli %mul3A_209, %scan3A_165 : i32
        %add3A_211 = arith.constant 1 : i32
        %add3A_212 = arith.addi %mul3A_210, %add3A_211 : i32
        %get3A_213 = arith.index_cast %add3A_212 : i32 to index
        %get3A_214 = arith.constant 0 : index
        %get3A_215 = tpu.vector_load %arg8[%get3A_213, %get3A_214] {strides = array<i32>} : memref<128x64xf32, #tpu.memory_space<vmem>>, vector<1x16xf32>,
        %get3A_216 = vector.shape_cast %get3A_215 : vector<1x16xf32> to vector<16xf32>
        %add3A_217 = arith.addf %scan3A_170, %get3A_216 : vector<16xf32>
        %mul3A_218 = arith.constant 2 : i32
        %mul3A_219 = arith.muli %mul3A_218, %scan3A_165 : i32
        %add3A_220 = arith.constant 1 : i32
        %add3A_221 = arith.addi %mul3A_219, %add3A_220 : i32
        %get3A_222 = arith.index_cast %add3A_221 : i32 to index
        %get3A_223 = arith.constant 16 : index
        %get3A_224 = tpu.vector_load %arg8[%get3A_222, %get3A_223] {strides = array<i32>} : memref<128x64xf32, #tpu.memory_space<vmem>>, vector<1x16xf32>,
        %get3A_225 = vector.shape_cast %get3A_224 : vector<1x16xf32> to vector<16xf32>
        %add3A_226 = arith.addf %scan3A_171, %get3A_225 : vector<16xf32>
        %mul3A_227 = arith.constant 2 : i32
        %mul3A_228 = arith.muli %mul3A_227, %scan3A_165 : i32
        %add3A_229 = arith.constant 1 : i32
        %add3A_230 = arith.addi %mul3A_228, %add3A_229 : i32
        %get3A_231 = arith.index_cast %add3A_230 : i32 to index
        %get3A_232 = arith.constant 32 : index
        %get3A_233 = tpu.vector_load %arg8[%get3A_231, %get3A_232] {strides = array<i32>} : memref<128x64xf32, #tpu.memory_space<vmem>>, vector<1x16xf32>,
        %get3A_234 = vector.shape_cast %get3A_233 : vector<1x16xf32> to vector<16xf32>
        %add3A_235 = arith.addf %scan3A_172, %get3A_234 : vector<16xf32>
        %mul3A_236 = arith.constant 2 : i32
        %mul3A_237 = arith.muli %mul3A_236, %scan3A_165 : i32
        %add3A_238 = arith.constant 1 : i32
        %add3A_239 = arith.addi %mul3A_237, %add3A_238 : i32
        %get3A_240 = arith.index_cast %add3A_239 : i32 to index
        %get3A_241 = arith.constant 48 : index
        %get3A_242 = tpu.vector_load %arg8[%get3A_240, %get3A_241] {strides = array<i32>} : memref<128x64xf32, #tpu.memory_space<vmem>>, vector<1x16xf32>,
        %get3A_243 = vector.shape_cast %get3A_242 : vector<1x16xf32> to vector<16xf32>
        %add3A_244 = arith.addf %scan3A_173, %get3A_243 : vector<16xf32>
        scf.yield %add3A_181, %add3A_190, %add3A_199, %add3A_208, %add3A_217, %add3A_226, %add3A_235, %add3A_244 : vector<16xf32>, vector<16xf32>, vector<16xf32>, vector<16xf32>, vector<16xf32>, vector<16xf32>, vector<16xf32>, vector<16xf32>
      }
      %scan3A_69 = arith.constant 64 : i32
      %scan3A_70 = arith.constant 0 : i32
      %scan3A_71 = arith.constant 36 : i32
      %scan3A_72 = arith.addi %scan3A_70, %scan3A_71 : i32
      %scan3A_73 = arith.constant 1 : i32
      %scan3A_74:8 = scf.for %scan3A_165 = %scan3A_70 to %scan3A_72 step %scan3A_73 iter_args(%scan3A_166 = %scan3A_68#0, %scan3A_167 = %scan3A_68#1, %scan3A_168 = %scan3A_68#2, %scan3A_169 = %scan3A_68#3, %scan3A_170 = %scan3A_68#4, %scan3A_171 = %scan3A_68#5, %scan3A_172 = %scan3A_68#6, %scan3A_173 = %scan3A_68#7) -> (vector<16xf32>, vector<16xf32>, vector<16xf32>, vector<16xf32>, vector<16xf32>, vector<16xf32>, vector<16xf32>, vector<16xf32>)  : i32 {
        %mul3A_174 = arith.constant 2 : i32
        %mul3A_175 = arith.muli %mul3A_174, %scan3A_165 : i32
        %add3A_176 = arith.constant 0 : i32
        %add3A_177 = arith.addi %mul3A_175, %add3A_176 : i32
        %get3A = arith.index_cast %add3A_177 : i32 to index
        %get3A_178 = arith.constant 0 : index
        %get3A_179 = tpu.vector_load %arg9[%get3A, %get3A_178] {strides = array<i32>} : memref<72x64xf32, #tpu.memory_space<vmem>>, vector<1x16xf32>,
        %get3A_180 = vector.shape_cast %get3A_179 : vector<1x16xf32> to vector<16xf32>
        %add3A_181 = arith.addf %scan3A_166, %get3A_180 : vector<16xf32>
        %mul3A_182 = arith.constant 2 : i32
        %mul3A_183 = arith.muli %mul3A_182, %scan3A_165 : i32
        %add3A_184 = arith.constant 0 : i32
        %add3A_185 = arith.addi %mul3A_183, %add3A_184 : i32
        %get3A_186 = arith.index_cast %add3A_185 : i32 to index
        %get3A_187 = arith.constant 16 : index
        %get3A_188 = tpu.vector_load %arg9[%get3A_186, %get3A_187] {strides = array<i32>} : memref<72x64xf32, #tpu.memory_space<vmem>>, vector<1x16xf32>,
        %get3A_189 = vector.shape_cast %get3A_188 : vector<1x16xf32> to vector<16xf32>
        %add3A_190 = arith.addf %scan3A_167, %get3A_189 : vector<16xf32>
        %mul3A_191 = arith.constant 2 : i32
        %mul3A_192 = arith.muli %mul3A_191, %scan3A_165 : i32
        %add3A_193 = arith.constant 0 : i32
        %add3A_194 = arith.addi %mul3A_192, %add3A_193 : i32
        %get3A_195 = arith.index_cast %add3A_194 : i32 to index
        %get3A_196 = arith.constant 32 : index
        %get3A_197 = tpu.vector_load %arg9[%get3A_195, %get3A_196] {strides = array<i32>} : memref<72x64xf32, #tpu.memory_space<vmem>>, vector<1x16xf32>,
        %get3A_198 = vector.shape_cast %get3A_197 : vector<1x16xf32> to vector<16xf32>
        %add3A_199 = arith.addf %scan3A_168, %get3A_198 : vector<16xf32>
        %mul3A_200 = arith.constant 2 : i32
        %mul3A_201 = arith.muli %mul3A_200, %scan3A_165 : i32
        %add3A_202 = arith.constant 0 : i32
        %add3A_203 = arith.addi %mul3A_201, %add3A_202 : i32
        %get3A_204 = arith.index_cast %add3A_203 : i32 to index
        %get3A_205 = arith.constant 48 : index
        %get3A_206 = tpu.vector_load %arg9[%get3A_204, %get3A_205] {strides = array<i32>} : memref<72x64xf32, #tpu.memory_space<vmem>>, vector<1x16xf32>,
        %get3A_207 = vector.shape_cast %get3A_206 : vector<1x16xf32> to vector<16xf32>
        %add3A_208 = arith.addf %scan3A_169, %get3A_207 : vector<16xf32>
        %mul3A_209 = arith.constant 2 : i32
        %mul3A_210 = arith.muli %mul3A_209, %scan3A_165 : i32
        %add3A_211 = arith.constant 1 : i32
        %add3A_212 = arith.addi %mul3A_210, %add3A_211 : i32
        %get3A_213 = arith.index_cast %add3A_212 : i32 to index
        %get3A_214 = arith.constant 0 : index
        %get3A_215 = tpu.vector_load %arg9[%get3A_213, %get3A_214] {strides = array<i32>} : memref<72x64xf32, #tpu.memory_space<vmem>>, vector<1x16xf32>,
        %get3A_216 = vector.shape_cast %get3A_215 : vector<1x16xf32> to vector<16xf32>
        %add3A_217 = arith.addf %scan3A_170, %get3A_216 : vector<16xf32>
        %mul3A_218 = arith.constant 2 : i32
        %mul3A_219 = arith.muli %mul3A_218, %scan3A_165 : i32
        %add3A_220 = arith.constant 1 : i32
        %add3A_221 = arith.addi %mul3A_219, %add3A_220 : i32
        %get3A_222 = arith.index_cast %add3A_221 : i32 to index
        %get3A_223 = arith.constant 16 : index
        %get3A_224 = tpu.vector_load %arg9[%get3A_222, %get3A_223] {strides = array<i32>} : memref<72x64xf32, #tpu.memory_space<vmem>>, vector<1x16xf32>,
        %get3A_225 = vector.shape_cast %get3A_224 : vector<1x16xf32> to vector<16xf32>
        %add3A_226 = arith.addf %scan3A_171, %get3A_225 : vector<16xf32>
        %mul3A_227 = arith.constant 2 : i32
        %mul3A_228 = arith.muli %mul3A_227, %scan3A_165 : i32
        %add3A_229 = arith.constant 1 : i32
        %add3A_230 = arith.addi %mul3A_228, %add3A_229 : i32
        %get3A_231 = arith.index_cast %add3A_230 : i32 to index
        %get3A_232 = arith.constant 32 : index
        %get3A_233 = tpu.vector_load %arg9[%get3A_231, %get3A_232] {strides = array<i32>} : memref<72x64xf32, #tpu.memory_space<vmem>>, vector<1x16xf32>,
        %get3A_234 = vector.shape_cast %get3A_233 : vector<1x16xf32> to vector<16xf32>
        %add3A_235 = arith.addf %scan3A_172, %get3A_234 : vector<16xf32>
        %mul3A_236 = arith.constant 2 : i32
        %mul3A_237 = arith.muli %mul3A_236, %scan3A_165 : i32
        %add3A_238 = arith.constant 1 : i32
        %add3A_239 = arith.addi %mul3A_237, %add3A_238 : i32
        %get3A_240 = arith.index_cast %add3A_239 : i32 to index
        %get3A_241 = arith.constant 48 : index
        %get3A_242 = tpu.vector_load %arg9[%get3A_240, %get3A_241] {strides = array<i32>} : memref<72x64xf32, #tpu.memory_space<vmem>>, vector<1x16xf32>,
        %get3A_243 = vector.shape_cast %get3A_242 : vector<1x16xf32> to vector<16xf32>
        %add3A_244 = arith.addf %scan3A_173, %get3A_243 : vector<16xf32>
        scf.yield %add3A_181, %add3A_190, %add3A_199, %add3A_208, %add3A_217, %add3A_226, %add3A_235, %add3A_244 : vector<16xf32>, vector<16xf32>, vector<16xf32>, vector<16xf32>, vector<16xf32>, vector<16xf32>, vector<16xf32>, vector<16xf32>
      }
      %scan3A_75 = arith.constant 36 : i32
      %add3A_76 = arith.addf %scan3A_74#0, %scan3A_74#4 : vector<16xf32>
      %swap3A = arith.index_cast %mul3A_23 : i32 to index
      %swap3A_77 = arith.constant 0 : index
      %swap3A_78 = tpu.vector_load %arg12[%swap3A, %swap3A_77] {strides = array<i32>} : memref<128x64xf32, #tpu.memory_space<vmem>>, vector<1x16xf32>,
      %swap3A_79 = vector.shape_cast %swap3A_78 : vector<1x16xf32> to vector<16xf32>
      %swap3A_80 = vector.shape_cast %add3A_76 : vector<16xf32> to vector<1x16xf32>
      tpu.vector_store %arg12[%swap3A, %swap3A_77], %swap3A_80 {strides = array<i32>} : memref<128x64xf32, #tpu.memory_space<vmem>>, vector<1x16xf32>,
      %add3A_81 = arith.addf %scan3A_74#1, %scan3A_74#5 : vector<16xf32>
      %swap3A_82 = arith.index_cast %mul3A_23 : i32 to index
      %swap3A_83 = arith.constant 16 : index
      %swap3A_84 = tpu.vector_load %arg12[%swap3A_82, %swap3A_83] {strides = array<i32>} : memref<128x64xf32, #tpu.memory_space<vmem>>, vector<1x16xf32>,
      %swap3A_85 = vector.shape_cast %swap3A_84 : vector<1x16xf32> to vector<16xf32>
      %swap3A_86 = vector.shape_cast %add3A_81 : vector<16xf32> to vector<1x16xf32>
      tpu.vector_store %arg12[%swap3A_82, %swap3A_83], %swap3A_86 {strides = array<i32>} : memref<128x64xf32, #tpu.memory_space<vmem>>, vector<1x16xf32>,
      %add3A_87 = arith.addf %scan3A_74#2, %scan3A_74#6 : vector<16xf32>
      %swap3A_88 = arith.index_cast %mul3A_23 : i32 to index
      %swap3A_89 = arith.constant 32 : index
      %swap3A_90 = tpu.vector_load %arg12[%swap3A_88, %swap3A_89] {strides = array<i32>} : memref<128x64xf32, #tpu.memory_space<vmem>>, vector<1x16xf32>,
      %swap3A_91 = vector.shape_cast %swap3A_90 : vector<1x16xf32> to vector<16xf32>
      %swap3A_92 = vector.shape_cast %add3A_87 : vector<16xf32> to vector<1x16xf32>
      tpu.vector_store %arg12[%swap3A_88, %swap3A_89], %swap3A_92 {strides = array<i32>} : memref<128x64xf32, #tpu.memory_space<vmem>>, vector<1x16xf32>,
      %add3A_93 = arith.addf %scan3A_74#3, %scan3A_74#7 : vector<16xf32>
      %swap3A_94 = arith.index_cast %mul3A_23 : i32 to index
      %swap3A_95 = arith.constant 48 : index
      %swap3A_96 = tpu.vector_load %arg12[%swap3A_94, %swap3A_95] {strides = array<i32>} : memref<128x64xf32, #tpu.memory_space<vmem>>, vector<1x16xf32>,
      %swap3A_97 = vector.shape_cast %swap3A_96 : vector<1x16xf32> to vector<16xf32>
      %swap3A_98 = vector.shape_cast %add3A_93 : vector<16xf32> to vector<1x16xf32>
      tpu.vector_store %arg12[%swap3A_94, %swap3A_95], %swap3A_98 {strides = array<i32>} : memref<128x64xf32, #tpu.memory_space<vmem>>, vector<1x16xf32>,
      %lt3A = arith.constant 63 : i32
      %lt3A_99 = arith.cmpi slt, %scan3A_21, %lt3A : i32
      %convert_element_type3A = arith.extui %lt3A_99 : i1 to i32
      %cond3A = arith.constant 0 : i32
      %cond3A_100 = arith.cmpi ne, %convert_element_type3A, %cond3A : i32
      scf.if %cond3A_100 {
        %add3A_165 = arith.constant 2 : i32
        %add3A_166 = arith.addi %mul3A_23, %add3A_165 : i32
        %dma_start3A_167 = arith.constant 0 : i32
        %dma_start3A_168 = tpu.memref_slice %arg6[%add3A_166, %dma_start3A_167] : memref<128x128xi32, #tpu.memory_space<vmem>> -> memref<1x128xi32, #tpu.memory_space<vmem>>
        %dma_start3A_169 = tpu.memref_squeeze %dma_start3A_168 : memref<1x128xi32, #tpu.memory_space<vmem>> -> memref<128xi32, #tpu.memory_space<vmem>>
        %dma_start3A_170 = arith.constant 0 : i32
        %dma_start3A_171 = arith.constant 0 : i32
        %dma_start3A_172 = tpu.memref_slice %arg4[%dma_start3A_170, %dma_start3A_171] : memref<1000002x64xf32, #tpu.memory_space<hbm>> -> memref<1000002x64xf32, #tpu.memory_space<hbm>>
        tpu.enqueue_indirect_dma source(%dma_start3A_172 : memref<1000002x64xf32, #tpu.memory_space<hbm>>) target(%arg8 : memref<128x64xf32, #tpu.memory_space<vmem>>) offsets(%dma_start3A_169 : memref<128xi32, #tpu.memory_space<vmem>>) semaphore(%arg13 : memref<!tpu.dma_semaphore, #tpu.memory_space<semaphore_mem>>)
        %dma_start3A_173 = arith.constant 56 : i32
        %dma_start3A_174 = tpu.memref_slice %arg7[%add3A_166, %dma_start3A_173] : memref<128x128xi32, #tpu.memory_space<vmem>> -> memref<1x72xi32, #tpu.memory_space<vmem>>
        %dma_start3A_175 = tpu.memref_squeeze %dma_start3A_174 : memref<1x72xi32, #tpu.memory_space<vmem>> -> memref<72xi32, #tpu.memory_space<vmem>>
        %dma_start3A_176 = arith.constant 0 : i32
        %dma_start3A_177 = arith.constant 0 : i32
        %dma_start3A_178 = tpu.memref_slice %arg4[%dma_start3A_176, %dma_start3A_177] : memref<1000002x64xf32, #tpu.memory_space<hbm>> -> memref<1000002x64xf32, #tpu.memory_space<hbm>>
        tpu.enqueue_indirect_dma source(%dma_start3A_178 : memref<1000002x64xf32, #tpu.memory_space<hbm>>) target(%arg9 : memref<72x64xf32, #tpu.memory_space<vmem>>) offsets(%dma_start3A_175 : memref<72xi32, #tpu.memory_space<vmem>>) semaphore(%arg13 : memref<!tpu.dma_semaphore, #tpu.memory_space<semaphore_mem>>)
      } else {
      }
      %dma_wait3A_101 = arith.constant 0 : i32
      %dma_wait3A_102 = tpu.memref_slice %arg6[%add3A_25, %dma_wait3A_101] : memref<128x128xi32, #tpu.memory_space<vmem>> -> memref<1x128xi32, #tpu.memory_space<vmem>>
      %dma_wait3A_103 = tpu.memref_squeeze %dma_wait3A_102 : memref<1x128xi32, #tpu.memory_space<vmem>> -> memref<128xi32, #tpu.memory_space<vmem>>
      %dma_wait3A_104 = arith.constant 0 : i32
      %dma_wait3A_105 = arith.constant 0 : i32
      %dma_wait3A_106 = tpu.memref_slice %arg4[%dma_wait3A_104, %dma_wait3A_105] : memref<1000002x64xf32, #tpu.memory_space<hbm>> -> memref<1000002x64xf32, #tpu.memory_space<hbm>>
      tpu.wait_indirect_dma semaphore(%arg14 : memref<!tpu.dma_semaphore, #tpu.memory_space<semaphore_mem>>) src(%dma_wait3A_106 : memref<1000002x64xf32, #tpu.memory_space<hbm>>) dst(%arg10 : memref<128x64xf32, #tpu.memory_space<vmem>>)
      %dma_wait3A_107 = arith.constant 56 : i32
      %dma_wait3A_108 = tpu.memref_slice %arg7[%add3A_25, %dma_wait3A_107] : memref<128x128xi32, #tpu.memory_space<vmem>> -> memref<1x72xi32, #tpu.memory_space<vmem>>
      %dma_wait3A_109 = tpu.memref_squeeze %dma_wait3A_108 : memref<1x72xi32, #tpu.memory_space<vmem>> -> memref<72xi32, #tpu.memory_space<vmem>>
      %dma_wait3A_110 = arith.constant 0 : i32
      %dma_wait3A_111 = arith.constant 0 : i32
      %dma_wait3A_112 = tpu.memref_slice %arg4[%dma_wait3A_110, %dma_wait3A_111] : memref<1000002x64xf32, #tpu.memory_space<hbm>> -> memref<1000002x64xf32, #tpu.memory_space<hbm>>
      tpu.wait_indirect_dma semaphore(%arg14 : memref<!tpu.dma_semaphore, #tpu.memory_space<semaphore_mem>>) src(%dma_wait3A_112 : memref<1000002x64xf32, #tpu.memory_space<hbm>>) dst(%arg11 : memref<72x64xf32, #tpu.memory_space<vmem>>)
      %broadcast_in_dim3A_113 = arith.constant 0.000000e+00 : f32
      %broadcast_in_dim3A_114 = vector.broadcast %broadcast_in_dim3A_113 : f32 to vector<16xf32>
      %broadcast_in_dim3A_115 = arith.constant 0.000000e+00 : f32
      %broadcast_in_dim3A_116 = vector.broadcast %broadcast_in_dim3A_115 : f32 to vector<16xf32>
      %broadcast_in_dim3A_117 = arith.constant 0.000000e+00 : f32
      %broadcast_in_dim3A_118 = vector.broadcast %broadcast_in_dim3A_117 : f32 to vector<16xf32>
      %broadcast_in_dim3A_119 = arith.constant 0.000000e+00 : f32
      %broadcast_in_dim3A_120 = vector.broadcast %broadcast_in_dim3A_119 : f32 to vector<16xf32>
      %broadcast_in_dim3A_121 = arith.constant 0.000000e+00 : f32
      %broadcast_in_dim3A_122 = vector.broadcast %broadcast_in_dim3A_121 : f32 to vector<16xf32>
      %broadcast_in_dim3A_123 = arith.constant 0.000000e+00 : f32
      %broadcast_in_dim3A_124 = vector.broadcast %broadcast_in_dim3A_123 : f32 to vector<16xf32>
      %broadcast_in_dim3A_125 = arith.constant 0.000000e+00 : f32
      %broadcast_in_dim3A_126 = vector.broadcast %broadcast_in_dim3A_125 : f32 to vector<16xf32>
      %broadcast_in_dim3A_127 = arith.constant 0.000000e+00 : f32
      %broadcast_in_dim3A_128 = vector.broadcast %broadcast_in_dim3A_127 : f32 to vector<16xf32>
      %scan3A_129 = arith.constant 0 : i32
      %scan3A_130 = arith.constant 64 : i32
      %scan3A_131 = arith.addi %scan3A_129, %scan3A_130 : i32
      %scan3A_132 = arith.constant 1 : i32
      %scan3A_133:8 = scf.for %scan3A_165 = %scan3A_129 to %scan3A_131 step %scan3A_132 iter_args(%scan3A_166 = %broadcast_in_dim3A_114, %scan3A_167 = %broadcast_in_dim3A_116, %scan3A_168 = %broadcast_in_dim3A_118, %scan3A_169 = %broadcast_in_dim3A_120, %scan3A_170 = %broadcast_in_dim3A_122, %scan3A_171 = %broadcast_in_dim3A_124, %scan3A_172 = %broadcast_in_dim3A_126, %scan3A_173 = %broadcast_in_dim3A_128) -> (vector<16xf32>, vector<16xf32>, vector<16xf32>, vector<16xf32>, vector<16xf32>, vector<16xf32>, vector<16xf32>, vector<16xf32>)  : i32 {
        %mul3A_174 = arith.constant 2 : i32
        %mul3A_175 = arith.muli %mul3A_174, %scan3A_165 : i32
        %add3A_176 = arith.constant 0 : i32
        %add3A_177 = arith.addi %mul3A_175, %add3A_176 : i32
        %get3A = arith.index_cast %add3A_177 : i32 to index
        %get3A_178 = arith.constant 0 : index
        %get3A_179 = tpu.vector_load %arg10[%get3A, %get3A_178] {strides = array<i32>} : memref<128x64xf32, #tpu.memory_space<vmem>>, vector<1x16xf32>,
        %get3A_180 = vector.shape_cast %get3A_179 : vector<1x16xf32> to vector<16xf32>
        %add3A_181 = arith.addf %scan3A_166, %get3A_180 : vector<16xf32>
        %mul3A_182 = arith.constant 2 : i32
        %mul3A_183 = arith.muli %mul3A_182, %scan3A_165 : i32
        %add3A_184 = arith.constant 0 : i32
        %add3A_185 = arith.addi %mul3A_183, %add3A_184 : i32
        %get3A_186 = arith.index_cast %add3A_185 : i32 to index
        %get3A_187 = arith.constant 16 : index
        %get3A_188 = tpu.vector_load %arg10[%get3A_186, %get3A_187] {strides = array<i32>} : memref<128x64xf32, #tpu.memory_space<vmem>>, vector<1x16xf32>,
        %get3A_189 = vector.shape_cast %get3A_188 : vector<1x16xf32> to vector<16xf32>
        %add3A_190 = arith.addf %scan3A_167, %get3A_189 : vector<16xf32>
        %mul3A_191 = arith.constant 2 : i32
        %mul3A_192 = arith.muli %mul3A_191, %scan3A_165 : i32
        %add3A_193 = arith.constant 0 : i32
        %add3A_194 = arith.addi %mul3A_192, %add3A_193 : i32
        %get3A_195 = arith.index_cast %add3A_194 : i32 to index
        %get3A_196 = arith.constant 32 : index
        %get3A_197 = tpu.vector_load %arg10[%get3A_195, %get3A_196] {strides = array<i32>} : memref<128x64xf32, #tpu.memory_space<vmem>>, vector<1x16xf32>,
        %get3A_198 = vector.shape_cast %get3A_197 : vector<1x16xf32> to vector<16xf32>
        %add3A_199 = arith.addf %scan3A_168, %get3A_198 : vector<16xf32>
        %mul3A_200 = arith.constant 2 : i32
        %mul3A_201 = arith.muli %mul3A_200, %scan3A_165 : i32
        %add3A_202 = arith.constant 0 : i32
        %add3A_203 = arith.addi %mul3A_201, %add3A_202 : i32
        %get3A_204 = arith.index_cast %add3A_203 : i32 to index
        %get3A_205 = arith.constant 48 : index
        %get3A_206 = tpu.vector_load %arg10[%get3A_204, %get3A_205] {strides = array<i32>} : memref<128x64xf32, #tpu.memory_space<vmem>>, vector<1x16xf32>,
        %get3A_207 = vector.shape_cast %get3A_206 : vector<1x16xf32> to vector<16xf32>
        %add3A_208 = arith.addf %scan3A_169, %get3A_207 : vector<16xf32>
        %mul3A_209 = arith.constant 2 : i32
        %mul3A_210 = arith.muli %mul3A_209, %scan3A_165 : i32
        %add3A_211 = arith.constant 1 : i32
        %add3A_212 = arith.addi %mul3A_210, %add3A_211 : i32
        %get3A_213 = arith.index_cast %add3A_212 : i32 to index
        %get3A_214 = arith.constant 0 : index
        %get3A_215 = tpu.vector_load %arg10[%get3A_213, %get3A_214] {strides = array<i32>} : memref<128x64xf32, #tpu.memory_space<vmem>>, vector<1x16xf32>,
        %get3A_216 = vector.shape_cast %get3A_215 : vector<1x16xf32> to vector<16xf32>
        %add3A_217 = arith.addf %scan3A_170, %get3A_216 : vector<16xf32>
        %mul3A_218 = arith.constant 2 : i32
        %mul3A_219 = arith.muli %mul3A_218, %scan3A_165 : i32
        %add3A_220 = arith.constant 1 : i32
        %add3A_221 = arith.addi %mul3A_219, %add3A_220 : i32
        %get3A_222 = arith.index_cast %add3A_221 : i32 to index
        %get3A_223 = arith.constant 16 : index
        %get3A_224 = tpu.vector_load %arg10[%get3A_222, %get3A_223] {strides = array<i32>} : memref<128x64xf32, #tpu.memory_space<vmem>>, vector<1x16xf32>,
        %get3A_225 = vector.shape_cast %get3A_224 : vector<1x16xf32> to vector<16xf32>
        %add3A_226 = arith.addf %scan3A_171, %get3A_225 : vector<16xf32>
        %mul3A_227 = arith.constant 2 : i32
        %mul3A_228 = arith.muli %mul3A_227, %scan3A_165 : i32
        %add3A_229 = arith.constant 1 : i32
        %add3A_230 = arith.addi %mul3A_228, %add3A_229 : i32
        %get3A_231 = arith.index_cast %add3A_230 : i32 to index
        %get3A_232 = arith.constant 32 : index
        %get3A_233 = tpu.vector_load %arg10[%get3A_231, %get3A_232] {strides = array<i32>} : memref<128x64xf32, #tpu.memory_space<vmem>>, vector<1x16xf32>,
        %get3A_234 = vector.shape_cast %get3A_233 : vector<1x16xf32> to vector<16xf32>
        %add3A_235 = arith.addf %scan3A_172, %get3A_234 : vector<16xf32>
        %mul3A_236 = arith.constant 2 : i32
        %mul3A_237 = arith.muli %mul3A_236, %scan3A_165 : i32
        %add3A_238 = arith.constant 1 : i32
        %add3A_239 = arith.addi %mul3A_237, %add3A_238 : i32
        %get3A_240 = arith.index_cast %add3A_239 : i32 to index
        %get3A_241 = arith.constant 48 : index
        %get3A_242 = tpu.vector_load %arg10[%get3A_240, %get3A_241] {strides = array<i32>} : memref<128x64xf32, #tpu.memory_space<vmem>>, vector<1x16xf32>,
        %get3A_243 = vector.shape_cast %get3A_242 : vector<1x16xf32> to vector<16xf32>
        %add3A_244 = arith.addf %scan3A_173, %get3A_243 : vector<16xf32>
        scf.yield %add3A_181, %add3A_190, %add3A_199, %add3A_208, %add3A_217, %add3A_226, %add3A_235, %add3A_244 : vector<16xf32>, vector<16xf32>, vector<16xf32>, vector<16xf32>, vector<16xf32>, vector<16xf32>, vector<16xf32>, vector<16xf32>
      }
      %scan3A_134 = arith.constant 64 : i32
      %scan3A_135 = arith.constant 0 : i32
      %scan3A_136 = arith.constant 36 : i32
      %scan3A_137 = arith.addi %scan3A_135, %scan3A_136 : i32
      %scan3A_138 = arith.constant 1 : i32
      %scan3A_139:8 = scf.for %scan3A_165 = %scan3A_135 to %scan3A_137 step %scan3A_138 iter_args(%scan3A_166 = %scan3A_133#0, %scan3A_167 = %scan3A_133#1, %scan3A_168 = %scan3A_133#2, %scan3A_169 = %scan3A_133#3, %scan3A_170 = %scan3A_133#4, %scan3A_171 = %scan3A_133#5, %scan3A_172 = %scan3A_133#6, %scan3A_173 = %scan3A_133#7) -> (vector<16xf32>, vector<16xf32>, vector<16xf32>, vector<16xf32>, vector<16xf32>, vector<16xf32>, vector<16xf32>, vector<16xf32>)  : i32 {
        %mul3A_174 = arith.constant 2 : i32
        %mul3A_175 = arith.muli %mul3A_174, %scan3A_165 : i32
        %add3A_176 = arith.constant 0 : i32
        %add3A_177 = arith.addi %mul3A_175, %add3A_176 : i32
        %get3A = arith.index_cast %add3A_177 : i32 to index
        %get3A_178 = arith.constant 0 : index
        %get3A_179 = tpu.vector_load %arg11[%get3A, %get3A_178] {strides = array<i32>} : memref<72x64xf32, #tpu.memory_space<vmem>>, vector<1x16xf32>,
        %get3A_180 = vector.shape_cast %get3A_179 : vector<1x16xf32> to vector<16xf32>
        %add3A_181 = arith.addf %scan3A_166, %get3A_180 : vector<16xf32>
        %mul3A_182 = arith.constant 2 : i32
        %mul3A_183 = arith.muli %mul3A_182, %scan3A_165 : i32
        %add3A_184 = arith.constant 0 : i32
        %add3A_185 = arith.addi %mul3A_183, %add3A_184 : i32
        %get3A_186 = arith.index_cast %add3A_185 : i32 to index
        %get3A_187 = arith.constant 16 : index
        %get3A_188 = tpu.vector_load %arg11[%get3A_186, %get3A_187] {strides = array<i32>} : memref<72x64xf32, #tpu.memory_space<vmem>>, vector<1x16xf32>,
        %get3A_189 = vector.shape_cast %get3A_188 : vector<1x16xf32> to vector<16xf32>
        %add3A_190 = arith.addf %scan3A_167, %get3A_189 : vector<16xf32>
        %mul3A_191 = arith.constant 2 : i32
        %mul3A_192 = arith.muli %mul3A_191, %scan3A_165 : i32
        %add3A_193 = arith.constant 0 : i32
        %add3A_194 = arith.addi %mul3A_192, %add3A_193 : i32
        %get3A_195 = arith.index_cast %add3A_194 : i32 to index
        %get3A_196 = arith.constant 32 : index
        %get3A_197 = tpu.vector_load %arg11[%get3A_195, %get3A_196] {strides = array<i32>} : memref<72x64xf32, #tpu.memory_space<vmem>>, vector<1x16xf32>,
        %get3A_198 = vector.shape_cast %get3A_197 : vector<1x16xf32> to vector<16xf32>
        %add3A_199 = arith.addf %scan3A_168, %get3A_198 : vector<16xf32>
        %mul3A_200 = arith.constant 2 : i32
        %mul3A_201 = arith.muli %mul3A_200, %scan3A_165 : i32
        %add3A_202 = arith.constant 0 : i32
        %add3A_203 = arith.addi %mul3A_201, %add3A_202 : i32
        %get3A_204 = arith.index_cast %add3A_203 : i32 to index
        %get3A_205 = arith.constant 48 : index
        %get3A_206 = tpu.vector_load %arg11[%get3A_204, %get3A_205] {strides = array<i32>} : memref<72x64xf32, #tpu.memory_space<vmem>>, vector<1x16xf32>,
        %get3A_207 = vector.shape_cast %get3A_206 : vector<1x16xf32> to vector<16xf32>
        %add3A_208 = arith.addf %scan3A_169, %get3A_207 : vector<16xf32>
        %mul3A_209 = arith.constant 2 : i32
        %mul3A_210 = arith.muli %mul3A_209, %scan3A_165 : i32
        %add3A_211 = arith.constant 1 : i32
        %add3A_212 = arith.addi %mul3A_210, %add3A_211 : i32
        %get3A_213 = arith.index_cast %add3A_212 : i32 to index
        %get3A_214 = arith.constant 0 : index
        %get3A_215 = tpu.vector_load %arg11[%get3A_213, %get3A_214] {strides = array<i32>} : memref<72x64xf32, #tpu.memory_space<vmem>>, vector<1x16xf32>,
        %get3A_216 = vector.shape_cast %get3A_215 : vector<1x16xf32> to vector<16xf32>
        %add3A_217 = arith.addf %scan3A_170, %get3A_216 : vector<16xf32>
        %mul3A_218 = arith.constant 2 : i32
        %mul3A_219 = arith.muli %mul3A_218, %scan3A_165 : i32
        %add3A_220 = arith.constant 1 : i32
        %add3A_221 = arith.addi %mul3A_219, %add3A_220 : i32
        %get3A_222 = arith.index_cast %add3A_221 : i32 to index
        %get3A_223 = arith.constant 16 : index
        %get3A_224 = tpu.vector_load %arg11[%get3A_222, %get3A_223] {strides = array<i32>} : memref<72x64xf32, #tpu.memory_space<vmem>>, vector<1x16xf32>,
        %get3A_225 = vector.shape_cast %get3A_224 : vector<1x16xf32> to vector<16xf32>
        %add3A_226 = arith.addf %scan3A_171, %get3A_225 : vector<16xf32>
        %mul3A_227 = arith.constant 2 : i32
        %mul3A_228 = arith.muli %mul3A_227, %scan3A_165 : i32
        %add3A_229 = arith.constant 1 : i32
        %add3A_230 = arith.addi %mul3A_228, %add3A_229 : i32
        %get3A_231 = arith.index_cast %add3A_230 : i32 to index
        %get3A_232 = arith.constant 32 : index
        %get3A_233 = tpu.vector_load %arg11[%get3A_231, %get3A_232] {strides = array<i32>} : memref<72x64xf32, #tpu.memory_space<vmem>>, vector<1x16xf32>,
        %get3A_234 = vector.shape_cast %get3A_233 : vector<1x16xf32> to vector<16xf32>
        %add3A_235 = arith.addf %scan3A_172, %get3A_234 : vector<16xf32>
        %mul3A_236 = arith.constant 2 : i32
        %mul3A_237 = arith.muli %mul3A_236, %scan3A_165 : i32
        %add3A_238 = arith.constant 1 : i32
        %add3A_239 = arith.addi %mul3A_237, %add3A_238 : i32
        %get3A_240 = arith.index_cast %add3A_239 : i32 to index
        %get3A_241 = arith.constant 48 : index
        %get3A_242 = tpu.vector_load %arg11[%get3A_240, %get3A_241] {strides = array<i32>} : memref<72x64xf32, #tpu.memory_space<vmem>>, vector<1x16xf32>,
        %get3A_243 = vector.shape_cast %get3A_242 : vector<1x16xf32> to vector<16xf32>
        %add3A_244 = arith.addf %scan3A_173, %get3A_243 : vector<16xf32>
        scf.yield %add3A_181, %add3A_190, %add3A_199, %add3A_208, %add3A_217, %add3A_226, %add3A_235, %add3A_244 : vector<16xf32>, vector<16xf32>, vector<16xf32>, vector<16xf32>, vector<16xf32>, vector<16xf32>, vector<16xf32>, vector<16xf32>
      }
      %scan3A_140 = arith.constant 36 : i32
      %add3A_141 = arith.addf %scan3A_139#0, %scan3A_139#4 : vector<16xf32>
      %swap3A_142 = arith.index_cast %add3A_25 : i32 to index
      %swap3A_143 = arith.constant 0 : index
      %swap3A_144 = tpu.vector_load %arg12[%swap3A_142, %swap3A_143] {strides = array<i32>} : memref<128x64xf32, #tpu.memory_space<vmem>>, vector<1x16xf32>,
      %swap3A_145 = vector.shape_cast %swap3A_144 : vector<1x16xf32> to vector<16xf32>
      %swap3A_146 = vector.shape_cast %add3A_141 : vector<16xf32> to vector<1x16xf32>
      tpu.vector_store %arg12[%swap3A_142, %swap3A_143], %swap3A_146 {strides = array<i32>} : memref<128x64xf32, #tpu.memory_space<vmem>>, vector<1x16xf32>,
      %add3A_147 = arith.addf %scan3A_139#1, %scan3A_139#5 : vector<16xf32>
      %swap3A_148 = arith.index_cast %add3A_25 : i32 to index
      %swap3A_149 = arith.constant 16 : index
      %swap3A_150 = tpu.vector_load %arg12[%swap3A_148, %swap3A_149] {strides = array<i32>} : memref<128x64xf32, #tpu.memory_space<vmem>>, vector<1x16xf32>,
      %swap3A_151 = vector.shape_cast %swap3A_150 : vector<1x16xf32> to vector<16xf32>
      %swap3A_152 = vector.shape_cast %add3A_147 : vector<16xf32> to vector<1x16xf32>
      tpu.vector_store %arg12[%swap3A_148, %swap3A_149], %swap3A_152 {strides = array<i32>} : memref<128x64xf32, #tpu.memory_space<vmem>>, vector<1x16xf32>,
      %add3A_153 = arith.addf %scan3A_139#2, %scan3A_139#6 : vector<16xf32>
      %swap3A_154 = arith.index_cast %add3A_25 : i32 to index
      %swap3A_155 = arith.constant 32 : index
      %swap3A_156 = tpu.vector_load %arg12[%swap3A_154, %swap3A_155] {strides = array<i32>} : memref<128x64xf32, #tpu.memory_space<vmem>>, vector<1x16xf32>,
      %swap3A_157 = vector.shape_cast %swap3A_156 : vector<1x16xf32> to vector<16xf32>
      %swap3A_158 = vector.shape_cast %add3A_153 : vector<16xf32> to vector<1x16xf32>
      tpu.vector_store %arg12[%swap3A_154, %swap3A_155], %swap3A_158 {strides = array<i32>} : memref<128x64xf32, #tpu.memory_space<vmem>>, vector<1x16xf32>,
      %add3A_159 = arith.addf %scan3A_139#3, %scan3A_139#7 : vector<16xf32>
      %swap3A_160 = arith.index_cast %add3A_25 : i32 to index
      %swap3A_161 = arith.constant 48 : index
      %swap3A_162 = tpu.vector_load %arg12[%swap3A_160, %swap3A_161] {strides = array<i32>} : memref<128x64xf32, #tpu.memory_space<vmem>>, vector<1x16xf32>,
      %swap3A_163 = vector.shape_cast %swap3A_162 : vector<1x16xf32> to vector<16xf32>
      %swap3A_164 = vector.shape_cast %add3A_159 : vector<16xf32> to vector<1x16xf32>
      tpu.vector_store %arg12[%swap3A_160, %swap3A_161], %swap3A_164 {strides = array<i32>} : memref<128x64xf32, #tpu.memory_space<vmem>>, vector<1x16xf32>,
    }
    %scan3A_20 = arith.constant 64 : i32
    "tpu.region"() ({
      %run_scoped3A = tpu.sem_alloc : memref<!tpu.dma_semaphore, #tpu.memory_space<semaphore_mem>>
      %dma_start3A_21 = arith.constant 0 : i32
      %dma_start3A_22 = tpu.memref_slice %arg5[%mul3A_2, %dma_start3A_21] : memref<4096x64xf32, #tpu.memory_space<hbm>> -> memref<128x64xf32, #tpu.memory_space<hbm>>
      %dma_start3A_23 = arith.constant 0 : i32
      %dma_start3A_24 = tpu.memref_slice %arg5[%mul3A_2, %dma_start3A_23] : memref<4096x64xf32, #tpu.memory_space<hbm>> -> memref<128x64xf32, #tpu.memory_space<hbm>>
      tpu.enqueue_dma source(%arg12 : memref<128x64xf32, #tpu.memory_space<vmem>>) target(%dma_start3A_24 : memref<128x64xf32, #tpu.memory_space<hbm>>) target_semaphore(%run_scoped3A : memref<!tpu.dma_semaphore, #tpu.memory_space<semaphore_mem>>)
      %dma_wait3A = arith.constant 0 : i32
      %dma_wait3A_25 = tpu.memref_slice %arg5[%mul3A_2, %dma_wait3A] : memref<4096x64xf32, #tpu.memory_space<hbm>> -> memref<128x64xf32, #tpu.memory_space<hbm>>
      %dma_wait3A_26 = arith.constant 0 : i32
      %dma_wait3A_27 = tpu.memref_slice %arg5[%mul3A_2, %dma_wait3A_26] : memref<4096x64xf32, #tpu.memory_space<hbm>> -> memref<128x64xf32, #tpu.memory_space<hbm>>
      tpu.wait_dma2 semaphore(%run_scoped3A : memref<!tpu.dma_semaphore, #tpu.memory_space<semaphore_mem>>) src(%arg12 : memref<128x64xf32, #tpu.memory_space<vmem>>) dst(%dma_wait3A_27 : memref<128x64xf32, #tpu.memory_space<hbm>>)
      tpu.yield
    }) : () -> ()
    return
  }
}

</mosaic_0001>

<sc_bundles>
// kernel: _pool.3.cloned.1.call-start
scs
__scs_entry_jumppad:
0x0: {  	(pc) =	sbr.rel $0x88, $3  }
0x1: {  	(tag) =	ssettag $0x0;
	lr =	simm.s32 $0x1  }
0x2: {  	[smem:$0x3F9E] =	sst lr;
	_ =	strace $0xD0000000  }
0x3: {  	_ = 	snop  }
0x4: {  	_ = 	snop  }
0x5: {  	_ = 	snop  }
0x6: {  	_ = 	snop  }
0x7: {  	_ = 	snop  }
__scs_overlays_trampoline_lowered:
0x8: {  	[smem:$0x3FAD] =	sst s0  }
0x9: {  	[smem:$0x3FAE] =	sst s1  }
0xa: {  	[smem:$0x3FAF] =	sst s2  }
0xb: {  	[smem:$0x3FB0] =	sst s3  }
0xc: {  	[smem:$0x3FB1] =	sst s4  }
0xd: {  	[smem:$0x3FB2] =	sst s5  }
0xe: {  	[smem:$0x3FB3] =	sst s6  }
0xf: {  	[smem:$0x3FB4] =	sst s7  }
0x10: {  	[smem:$0x3FB5] =	sst s8  }
0x11: {  	[smem:$0x3FB6] =	sst s9;
	s0 =	simm.s32 @!p0 $0x0  }
0x12: {  	s1 =	sld [smem:$0x3F9C];
	s0 =	simm.s32 @p0 $0x1  }
0x13: {  	[smem:$0x3FB7] =	sst s0;
	s0 =	simm.s32 @!p1 $0x0  }
0x14: {  	s2 =	sld [smem:$0x3F9B];
	s0 =	simm.s32 @p1 $0x1  }
0x15: {  	[smem:$0x3FB8] =	sst s0;
	s0 =	simm.s32 @!p2 $0x0  }
0x16: {  	s3 =	sld [smem:$0x3FDB];
	s0 =	simm.s32 @p2 $0x1  }
0x17: {  	s4 =	simm.s32 $0x1BF5;
	[smem:$0x3FBA] =	sst s0  }
0x18: {  	s0 =	sld [smem:$0x3F9D];
	_ =	swait.ge [sflag:s4], $0x0  }
0x19: {  	s7 =	sld [smem:$0x3F9E]  }
0x1a: {  	s8 =	sadd.s32 $0xFFFFE003, lr  }
0x1b: {  	s9 =	sadd.s32 $0xFFFFFEF7, lr;
	s5 =	simm.s32 $0xFFFFFFFF;
	p2 =	slt.u32 s8, $0xFFFFF086  }
0x1c: {  	p1 =	slt.u32 s9, $0xF7A;
	s5 =	simm.s32 @!p2 $0x0  }
0x1d: {  	s5 =	simm.s32 @p1 $0x1;
	p0 =	seq.s32 s7, s2  }
0x1e: {  	s7 =	smul.u32 @!p0 $0xF7A, s2;
	p2 =	seq.s32 @!p0 s5, $0x0  }
0x1f: {  	s9 =	smul.u32 $0xF7A, s1;
	s8 =	simm.s32 @!p0 $0x1BF5;
	p2 =	por !p2, p0  }
0x20: {  	[sflag:s8] =	ssyncset.s32 @!p0 $0xFFFFF086;
	s6 =	sadd.s32 @!p0 s3, s7;
	s7 =	simm.s32 @!p0 $0x108  }
0x21: {  	s3 =	sadd.s32 s3, s9;
	s6 =	sadd.s32 @!p0 $0x88, s6;
	s7 =	simm.s32 @p2 $0x1082  }
0x22: {  	[simem:s7], [sflag:s8] =	dma.local @!p0 [hbm:s6], $0xF7A  }
0x23: {  	s9 =	sor.u32 $0xD0000000, s2;
	s6 =	simm.s32 $0x108;
	_ =	swait.ge @!p0 [sflag:s8], $0x0  }
0x24: {  	s3 =	sadd.s32 $0x88, s3;
	s6 =	simm.s32 @!p1 $0x1082;
	[sflag:s4] =	ssyncset.s32 $0xFFFFF086  }
0x25: {  	[simem:s6], [sflag:s4] =	dma.local [hbm:s3], $0xF7A  }
0x26: {  	[smem:$0x3F9E] =	sst s1;
	(tag) =	ssettag s2;
	_ =	strace s9  }
0x27: {  	s1 =	sld [smem:$0x3FAE]  }
0x28: {  	s2 =	sld [smem:$0x3FAF]  }
0x29: {  	s4 =	sld [smem:$0x3FB1]  }
0x2a: {  	p0 =	seq.s32 s5, $0x0;
	s5 =	sld [smem:$0x3FB2]  }
0x2b: {  	s6 =	sld [smem:$0x3FB3]  }
0x2c: {  	s7 =	sld [smem:$0x3FB4]  }
0x2d: {  	s3 =	simm.s32 $0x108;
	s8 =	sld [smem:$0x3FB5]  }
0x2e: {  	s3 =	simm.s32 @!p0 $0x1082;
	s9 =	sld [smem:$0x3FB6]  }
0x2f: {  	lr =	sadd.s32 s0, s3;
	s0 =	sld [smem:$0x3FAD]  }
0x30: {  	s3 =	sld [smem:$0x3FB0]  }
0x31: {  	[smem:$0x3FB9] =	sst s10  }
0x32: {  	s10 =	sld [smem:$0x3FB7];
	_ =	sdelay $0x3  }
0x33: {  	p0 =	seq.s32 s10, $0x1;
	s10 =	sld [smem:$0x3FB9];
	_ =	sdelay $0x3  }
0x34: {  	[smem:$0x3FB9] =	sst s10  }
0x35: {  	s10 =	sld [smem:$0x3FB8];
	_ =	sdelay $0x3  }
0x36: {  	p1 =	seq.s32 s10, $0x1;
	s10 =	sld [smem:$0x3FB9];
	_ =	sdelay $0x3  }
0x37: {  	[smem:$0x3FB9] =	sst s10  }
0x38: {  	s10 =	sld [smem:$0x3FBA]  }
0x39: {  	_ = 	snop;
	(pc) =	sbr.ind lr, $3  }
0x3a: {  	_ = 	snop  }
0x3b: {  	_ = 	snop  }
0x3c: {  	p2 =	seq.s32 s10, $0x1;
	s10 =	sld [smem:$0x3FB9]  }
0x3d: {  	_ =	shalt  }
0x3e: {  	_ =	shalt  }
0x3f: {  	_ =	shalt  }
0x40: {  	_ =	shalt  }
0x41: {  	_ =	shalt  }
0x42: {  	_ =	shalt  }
0x43: {  	_ =	shalt  }
0x44: {  	_ =	shalt  }
0x45: {  	_ =	shalt  }
0x46: {  	_ =	shalt  }
0x47: {  	_ =	shalt  }
0x48: {  	_ =	shalt  }
0x49: {  	_ =	shalt  }
0x4a: {  	_ =	shalt  }
0x4b: {  	_ =	shalt  }
0x4c: {  	_ =	shalt  }
0x4d: {  	_ =	shalt  }
0x4e: {  	_ =	shalt  }
0x4f: {  	_ =	shalt  }
0x50: {  	_ =	shalt  }
0x51: {  	_ =	shalt  }
0x52: {  	_ =	shalt  }
0x53: {  	_ =	shalt  }
0x54: {  	_ =	shalt  }
0x55: {  	_ =	shalt  }
0x56: {  	_ =	shalt  }
0x57: {  	_ =	shalt  }
0x58: {  	_ =	shalt  }
0x59: {  	_ =	shalt  }
0x5a: {  	_ =	shalt  }
0x5b: {  	_ =	shalt  }
0x5c: {  	_ =	shalt  }
0x5d: {  	_ =	shalt  }
0x5e: {  	_ =	shalt  }
0x5f: {  	_ =	shalt  }
0x60: {  	_ =	shalt  }
0x61: {  	_ =	shalt  }
0x62: {  	_ =	shalt  }
0x63: {  	_ =	shalt  }
0x64: {  	_ =	shalt  }
0x65: {  	_ =	shalt  }
0x66: {  	_ =	shalt  }
0x67: {  	_ =	shalt  }
0x68: {  	_ =	shalt  }
0x69: {  	_ =	shalt  }
0x6a: {  	_ =	shalt  }
0x6b: {  	_ =	shalt  }
0x6c: {  	_ =	shalt  }
0x6d: {  	_ =	shalt  }
0x6e: {  	_ =	shalt  }
0x6f: {  	_ =	shalt  }
0x70: {  	_ =	shalt  }
0x71: {  	_ =	shalt  }
0x72: {  	_ =	shalt  }
0x73: {  	_ =	shalt  }
0x74: {  	_ =	shalt  }
0x75: {  	_ =	shalt  }
0x76: {  	_ =	shalt  }
0x77: {  	_ =	shalt  }
0x78: {  	_ =	shalt  }
0x79: {  	_ =	shalt  }
0x7a: {  	_ =	shalt  }
0x7b: {  	_ =	shalt  }
0x7c: {  	_ =	shalt  }
0x7d: {  	_ =	shalt  }
0x7e: {  	_ =	shalt  }
0x7f: {  	_ =	shalt  }
0x80: {  	_ =	shalt  }
0x81: {  	_ =	shalt  }
0x82: {  	_ =	shalt  }
0x83: {  	_ =	shalt  }
0x84: {  	_ =	shalt  }
0x85: {  	_ =	shalt  }
0x86: {  	_ =	shalt  }
0x87: {  	_ =	shalt  }
.Lfunc_end0:
.L_simem_size_0:
called_computation_lowered:
.L_overlay_start_0:
0x88: {  	s2 =	sld [smem:$0x3FD9]  }
0x89: {  	s3 =	sld [smem:$0x3FFE];
	_ =	sdelay $0x1  }
0x8a: {  	s1 =	srdreg.scid  }
0x8b: {  	s0 =	sand.u32 $0x1, s1  }
0x8c: {  	s17 =	sshll.u32 s0, $0xA;
	s2 =	sadd.s32 s3, s2  }
0x8d: {  	s2 =	sadd.s32 s2, s17  }
0x8e: {  	[smem:$0x3FC5] =	sst s2  }
0x8f: {  	_ = 	snop  }
0x90: {  	s2 =	sld [smem:$0x3FC9]  }
0x91: {  	s18 =	sld [smem:$0x3FC8]  }
0x92: {  	s4 =	sld [smem:$0x3FD0];
	(tm) =	ssettm $0x1  }
0x93: {  	s5 =	sld [smem:$0x3FFB];
	_ =	sdelay $0x3  }
0x94: {  	_ =	strace s5  }
0x95: {  	s5 =	sld [smem:$0x3FFC];
	_ =	sdelay $0x3  }
0x96: {  	_ =	strace s5  }
0x97: {  	s5 =	sld [smem:$0x3FFD];
	_ =	sdelay $0x3  }
0x98: {  	_ =	strace s5  }
0x99: {  	_ =	strace $0x8FFFFFFF  }
0x9a: {  	s19 =	sld [smem:$0x3FDB];
	_ =	sdelay $0x1  }
0x9b: {  	s6 =	simm.s32 $_scs_section_size  }
0x9c: {  	s7 =	simm.s32 $_size__tile_overlayer_lowered;
	s8 =	simm.s32 $_tile_overlayer_lowered  }
0x9d: {  	s22 =	simm.s32 $0x1BFF;
	s21 =	sshll.u32 s8, $0x1;
	s5 =	sadd.s32 s6, s19  }
0x9e: {  	s9 =	simm.s32 $0x0;
	s20 =	sshll.u32 s7, $0x1;
	s7 =	sadd.s32 s21, s5  }
0x9f: {  	[timem:s9], [sflag:s22] =	dma.local [hbm:s7], s20  }
0xa0: {  	_ =	swait.ge [sflag:s22], s20  }
0xa1: {  	s6 =	ssub.s32 $0x0, s20;
	[sflag:s22] =	ssyncset.done $0x0  }
0xa2: {  	[sflag:s22] =	ssyncadd.s32 s6;
	_ =	sdelay $0x1  }
0xa3: {  	s23 =	simm.s32 $0x1B8B  }
0xa4: {  	_ =	swait.ge [sflag:s23], $0x1  }
0xa5: {  	[sflag:s23] =	ssyncset.done $0x0  }
0xa6: {  	s25 =	simm.s32 $0x1B8E;
	s24 =	sld [smem:$0x3FFE];
	[sflag:s23] =	ssyncadd.s32 $0xFFFFFFFF  }
0xa7: {  	s26 =	simm.s32 $execute0_lowered;
	[smem:$0x3FD2] =	sst s25  }
0xa8: {  	s7 =	sshll.u32 s26, $0x1;
	_ =	strace $0x80000046;
	[dreg:$0x1] =	wrdreg $0xFFFFFFFF  }
0xa9: {  	s28 =	simm.s32 $_size_execute0_lowered;
	s5 =	sadd.s32 s5, s7;
	[dreg:$0x0] =	wrdreg $0x0  }
0xaa: {  	s7 =	sshll.u32 s28, $0x1;
	[dreg:$0x2] =	wrdreg s5  }
0xab: {  	[dreg:$0x3] =	wrdreg s7  }
0xac: {  	[dreg:$0x4] =	wrdreg $0xC0  }
0xad: {  	_ =	task [dreg:s9], $0x5FFFF  }
0xae: {  	[dreg:$0x1] =	wrdreg $0xFFFFFFFF  }
0xaf: {  	[dreg:$0x0] =	wrdreg $0x60  }
0xb0: {  	[dreg:$0x2] =	wrdreg s2  }
0xb1: {  	[dreg:$0x3] =	wrdreg s18  }
0xb2: {  	[dreg:$0x4] =	wrdreg s24  }
0xb3: {  	[dreg:$0x5] =	wrdreg s4  }
0xb4: {  	[dreg:$0x6] =	wrdreg $0x9  }
0xb5: {  	_ =	task.clear_ibuf [dreg:s9], $0x7FFFF;
	_ =	strace $0x90000046  }
0xb6: {  	s29 =	simm.s32 $0x9;
	_ =	strace $0x80000048  }
0xb7: {  	_ =	swait.ge [sflag:s29], $0x1  }
0xb8: {  	[sflag:s29] =	ssyncadd.s32 $0xFFFFFFFF  }
0xb9: {  	_ =	strace $0x90000048  }
0xba: {  	_ =	sfence  }
0xbb: {  	s30 =	sld [smem:$0x0];
	_ =	sdelay $0x2  }
0xbc: {  	s31 =	sshll.u32 s1, $0xD;
	s1 =	sshrl.u32 s1, $0x2  }
0xbd: {  	s3 =	sand.u32 $0x4000, s31;
	s1 =	sadd.s32 s1, s30  }
0xbe: {  	s0 =	sor.u32 s3, s0;
	s1 =	sshll.u32 s1, $0x11  }
0xbf: {  	s0 =	sor.u32 s1, s0  }
0xc0: {  	s0 =	sadd.s32 $0x8F2B, s0  }
0xc1: {  	[sflag:s0] =	ssyncadd.remote.s32 $0x1  }
0xc2: {  	_ =	sfence.sel $0xFFFF  }
0xc3: {  	[dreg:$0x0] =	wrdreg $0xFFFFFFFF;
	(pc) =	sbr.abs _section_cstart, $3  }
0xc4: {  	[dreg:$0x1] =	wrdreg $0xFFFFFFFF  }
0xc5: {  	_ =	task.clear_ibuf [dreg:s9], $0x2FFFF;
	_ =	strace $0x9FFFFFFF  }
0xc6: {  	(tm) =	ssettm $0x7FFFFFFF  }
0xc7: {  	_ =	shalt  }
tec
execute0_lowered:
.L_overlay_start_1:
0x0: {  	(tag) =	ssettag $0x1  }
0x1: {  	s4 =	rddreg [dreg:$0x0]  }
0x2: {  	s5 =	rddreg [dreg:$0x1]  }
0x3: {  	s3 =	rddreg [dreg:$0x2]  }
0x4: {  	s6 =	rddreg [dreg:$0x3]  }
0x5: {  	s0 =	rddreg [dreg:$0x4];
	s2 =	simm.s32 $0x0;
	s7 =	srdreg.scid  }
0x6: {  	s1 =	stileid.u32;
	s11 =	simm.s32 $0x8000;
	s12 =	simm.s32 $0x48  }
0x7: {  	s13 =	simm.s32 $0x4038;
	s14 =	simm.s32 $0xA000;
	s15 =	simm.s32 $0xB200  }
0x8: {  	s16 =	simm.s32 $0xD200;
	s17 =	simm.s32 $0x1;
	s18 =	simm.s32 $0x2  }
0x9: {  	s19 =	simm.s32 $0xE400;
	s20 =	simm.s32 $0x0;
	s7 =	sand.u32 $0x1, s7  }
0xa: {  	[smem:$0x7FF] =	sst s2;
	s9 =	sshll.u32 s1, $0x8;
	s8 =	ssub.s32 $0x2, s7  }
0xb: {  	s3 =	sadd.s32 $0xF42A00, s3;
	s7 =	sshll.u32 s7, $0x7;
	s10 =	sshrl.u32 s8, $0x1  }
0xc: {  	_ =	strace $0x80000047;
	s7 =	sor.u32 s7, s9;
	s8 =	ssub.s32 s8, s10  }
0xd: {  	s9 =	sshll.u32 s7, $0x4;
	s7 =	sshll.u32 s7, $0x3;
	s10 =	simm.s32 $0x80  }
0xe: {  	s4 =	sadd.s32 s4, s9;
	s5 =	sadd.s32 s5, s9;
	s6 =	sadd.s32 s6, s7  }
0xf: {  	s7 =	smax.u32 s8, $0x1;
	s8 =	simm.s32 $0x3;
	s9 =	simm.s32 $0x4000  }
.LBB2_1:
0x10: {  	[tilespmem:s2], [sflag:$0x3] =	stream.linear.gather [hbm4b:s4+s2], $0x4000, $0x38;
	[tilespmem:$0x10400] =	vst v63  }
0x11: {  	_ =	swait.ge [sflag:s8], $0x4000  }
0x12: {  	[sflag:s8] =	ssyncset.done $0x0  }
0x13: {  	[sflag:s8] =	ssyncadd.s32 $0xFFFFC000  }
0x14: {  	[tilespmem:s9], [sflag:$0x3] =	stream.linear.gather [hbm4b:s5+s2], $0x4000, $0x38;
	[tilespmem:$0x10400] =	vst v63  }
0x15: {  	_ =	swait.ge [sflag:s8], $0x4000  }
0x16: {  	[sflag:s8] =	ssyncset.done $0x0  }
0x17: {  	[sflag:s8] =	ssyncadd.s32 $0xFFFFC000  }
0x18: {  	[tilespmem:s11], [sflag:$0x1] =	stream.indirect.gather [hbm4b:s3+s10], $0x40, s2, s10, $0xb8;
	[tilespmem:$0x10400] =	vst v63  }
0x19: {  	s21 =	simm.s32 $0x0  }
0x1a: {  	[tilespmem:s14], [sflag:$0x1] =	stream.indirect.gather [hbm4b:s3+s12], $0x40, s13, s12, $0xb8;
	[tilespmem:$0x10400] =	vst v63  }
.LBB2_2:
0x1b: {  	s22 =	sshllo.u32 s21, $0x1  }
0x1c: {  	s23 =	sshll.u32 s22, $0x7  }
0x1d: {  	[tilespmem:s15], [sflag:$0x2] =	stream.indirect.gather [hbm4b:s3+s10], $0x40, s23, s10, $0xb8;
	[tilespmem:$0x10400] =	vst v63  }
0x1e: {  	s23 =	sadd.s32 $0x4038, s23  }
0x1f: {  	[tilespmem:s16], [sflag:$0x2] =	stream.indirect.gather [hbm4b:s3+s12], $0x40, s23, s12, $0xb8;
	[tilespmem:$0x10400] =	vst v63  }
0x20: {  	_ =	swait.ge [sflag:s17], $0x2000  }
0x21: {  	[sflag:s17] =	ssyncset.done $0x0  }
0x22: {  	[sflag:s17] =	ssyncadd.s32 $0xFFFFE000  }
0x23: {  	_ =	swait.ge [sflag:s17], $0x1200  }
0x24: {  	[sflag:s17] =	ssyncset.done $0x0  }
0x25: {  	s23 =	simm.s32 $0x0;
	[sflag:s17] =	ssyncadd.s32 $0xFFFFEE00  }
0x26: {  	v0 =	vld [tilespmem:s23+$0x8070]  }
0x27: {  	v2 =	vld [tilespmem:s23+$0x8000]  }
0x28: {  	v4 =	vld [tilespmem:s23+$0x8010]  }
0x29: {  	v5 =	vld [tilespmem:s23+$0x8020]  }
0x2a: {  	v8 =	vld [tilespmem:s23+$0x8030]  }
0x2b: {  	v3 =	vimm.f32 $0.0e+00;
	v9 =	vimm.f32 $0.0e+00;
	v6 =	vld [tilespmem:s23+$0x8040]  }
0x2c: {  	v10 =	vimm.f32 $0.0e+00;
	v7 =	vimm.f32 $0.0e+00;
	v11 =	vld [tilespmem:s23+$0x8050];
	v1 =	vadd.f32 v0, v3  }
0x2d: {  	s24 =	simm.s32 $0x80;
	s25 =	simm.s32 $0x400;
	v12 =	vld [tilespmem:s23+$0x8060];
	v0 =	vadd.f32 v2, v3;
	v2 =	vadd.f32 v4, v3;
	v4 =	vimm.f32 $0.0e+00  }
.LBB2_3:
0x2e: {  	p0 =	sne.s32 s25, $0x7E00;
	v13 =	vld [tilespmem:s24+$0x8070];
	v3 =	vadd.f32 v5, v3  }
0x2f: {  	v14 =	vld [tilespmem:s24+$0x8000];
	v4 =	vadd.f32 v8, v4  }
0x30: {  	v15 =	vld [tilespmem:s24+$0x8010];
	v9 =	vadd.f32 v6, v9  }
.Ltmp0:
0x31: {  	v5 =	vld [tilespmem:s24+$0x8020];
	v10 =	vadd.f32 v11, v10;
	(pc) =	sbr.rel @p0 .LBB2_3-.Ltmp0, $4  }
0x32: {  	v8 =	vld [tilespmem:s24+$0x8030];
	v7 =	vadd.f32 v12, v7  }
0x33: {  	v6 =	vld [tilespmem:s24+$0x8040];
	v1 =	vadd.f32 v13, v1  }
0x34: {  	v0 =	vadd.f32 v14, v0;
	v11 =	vld [tilespmem:s24+$0x8050]  }
0x35: {  	v2 =	vadd.f32 v15, v2;
	v12 =	vld [tilespmem:s24+$0x8060];
	s24 =	sshra.s32 s25, $0x2;
	s25 =	sadd.s32 $0x200, s25  }
0x36: {  	v13 =	vld [tilespmem:s24+$0x8070]  }
0x37: {  	v14 =	vld [tilespmem:s24+$0x8000]  }
0x38: {  	v15 =	vld [tilespmem:s24+$0x8010]  }
0x39: {  	v16 =	vld [tilespmem:s24+$0x8020]  }
0x3a: {  	v17 =	vld [tilespmem:s24+$0x8030]  }
0x3b: {  	v18 =	vld [tilespmem:s24+$0x8040]  }
0x3c: {  	v19 =	vld [tilespmem:s24+$0x8050]  }
0x3d: {  	v20 =	vld [tilespmem:s24+$0x8060]  }
0x3e: {  	v3 =	vadd.f32 v5, v3;
	v21 =	vld [tilespmem:s23+$0xA070];
	v4 =	vadd.f32 v8, v4  }
0x3f: {  	v22 =	vld [tilespmem:s23+$0xA000];
	v5 =	vadd.f32 v6, v9;
	v6 =	vadd.f32 v11, v10  }
0x40: {  	v7 =	vadd.f32 v12, v7;
	v12 =	vld [tilespmem:s23+$0xA010];
	v11 =	vadd.f32 v13, v1  }
0x41: {  	v8 =	vld [tilespmem:s23+$0xA020];
	v13 =	vadd.f32 v14, v0;
	v14 =	vadd.f32 v15, v2  }
0x42: {  	v9 =	vld [tilespmem:s23+$0xA030];
	v3 =	vadd.f32 v16, v3;
	v0 =	vadd.f32 v17, v4  }
0x43: {  	v10 =	vld [tilespmem:s23+$0xA040];
	v4 =	vadd.f32 v18, v5;
	v1 =	vadd.f32 v19, v6  }
0x44: {  	v5 =	vadd.f32 v20, v7;
	v2 =	vadd.f32 v21, v11;
	v11 =	vld [tilespmem:s23+$0xA050]  }
0x45: {  	s24 =	simm.s32 $0x80;
	s25 =	simm.s32 $0x400;
	v6 =	vadd.f32 v22, v13;
	v7 =	vadd.f32 v12, v14;
	v12 =	vld [tilespmem:s23+$0xA060]  }
.LBB2_5:
0x46: {  	p0 =	sne.s32 s25, $0x4600;
	v13 =	vld [tilespmem:s24+$0xA070];
	v3 =	vadd.f32 v8, v3  }
0x47: {  	v14 =	vld [tilespmem:s24+$0xA000];
	v0 =	vadd.f32 v9, v0  }
0x48: {  	v15 =	vld [tilespmem:s24+$0xA010];
	v4 =	vadd.f32 v10, v4  }
.Ltmp1:
0x49: {  	v8 =	vld [tilespmem:s24+$0xA020];
	v1 =	vadd.f32 v11, v1;
	(pc) =	sbr.rel @p0 .LBB2_5-.Ltmp1, $4  }
0x4a: {  	v9 =	vld [tilespmem:s24+$0xA030];
	v5 =	vadd.f32 v12, v5  }
0x4b: {  	v10 =	vld [tilespmem:s24+$0xA040];
	v2 =	vadd.f32 v13, v2  }
0x4c: {  	v6 =	vadd.f32 v14, v6;
	v11 =	vld [tilespmem:s24+$0xA050]  }
0x4d: {  	v7 =	vadd.f32 v15, v7;
	v12 =	vld [tilespmem:s24+$0xA060];
	s24 =	sshra.s32 s25, $0x2;
	s25 =	sadd.s32 $0x200, s25  }
0x4e: {  	v13 =	vld [tilespmem:s24+$0xA070]  }
0x4f: {  	v14 =	vld [tilespmem:s24+$0xA000]  }
0x50: {  	v15 =	vld [tilespmem:s24+$0xA010]  }
0x51: {  	v16 =	vld [tilespmem:s24+$0xA020]  }
0x52: {  	v17 =	vld [tilespmem:s24+$0xA040]  }
0x53: {  	v3 =	vadd.f32 v8, v3;
	v8 =	vld [tilespmem:s24+$0xA050]  }
0x54: {  	v0 =	vadd.f32 v9, v0;
	v9 =	vld [tilespmem:s24+$0xA060];
	v4 =	vadd.f32 v10, v4  }
0x55: {  	v10 =	vld [tilespmem:s24+$0xA030];
	v1 =	vadd.f32 v11, v1;
	v5 =	vadd.f32 v12, v5  }
0x56: {  	v2 =	vadd.f32 v13, v2;
	v6 =	vadd.f32 v14, v6  }
0x57: {  	v7 =	vadd.f32 v15, v7;
	v4 =	vadd.f32 v17, v4  }
0x58: {  	v3 =	vadd.f32 v16, v3;
	v1 =	vadd.f32 v8, v1  }
0x59: {  	s23 =	sshll.u32 s21, $0x7;
	v5 =	vadd.f32 v9, v5;
	v4 =	vadd.f32 v4, v6  }
0x5a: {  	s23 =	sand.u32 $0x3FFFFF80, s23;
	v0 =	vadd.f32 v10, v0;
	v1 =	vadd.f32 v1, v7  }
0x5b: {  	v3 =	vadd.f32 v5, v3;
	[tilespmem:s23+$0xE400] =	vst v4  }
0x5c: {  	p0 =	seq.s32 s21, $0x3F;
	[tilespmem:s23+$0xE410] =	vst v1;
	v0 =	vadd.f32 v2, v0  }
0x5d: {  	s24 =	sshll.u32 @!p0 s21, $0x8;
	[tilespmem:s23+$0xE420] =	vst v3  }
0x5e: {  	s25 =	simm.s32 @!p0 $0x80;
	s26 =	simm.s32 @!p0 $0x8000;
	[tilespmem:s23+$0xE430] =	vst v0;
	s23 =	sadd.s32 @!p0 $0x100, s24  }
0x5f: {  	[tilespmem:s26], [sflag:$0x1] =	stream.indirect.gather @!p0 [hbm4b:s3+s25], $0x40, s23, s25, $0xb8;
	[tilespmem:$0x10400] =	vst v63  }
0x60: {  	s23 =	sadd.s32 @!p0 $0x4138, s24;
	s24 =	simm.s32 @!p0 $0x48;
	s25 =	simm.s32 @!p0 $0xA000  }
0x61: {  	[tilespmem:s25], [sflag:$0x1] =	stream.indirect.gather @!p0 [hbm4b:s3+s24], $0x40, s23, s24, $0xb8;
	[tilespmem:$0x10400] =	vst v63  }
0x62: {  	_ =	swait.ge [sflag:s18], $0x2000  }
0x63: {  	[sflag:s18] =	ssyncset.done $0x0  }
0x64: {  	[sflag:s18] =	ssyncadd.s32 $0xFFFFE000  }
0x65: {  	_ =	swait.ge [sflag:s18], $0x1200  }
0x66: {  	[sflag:s18] =	ssyncset.done $0x0  }
0x67: {  	s23 =	simm.s32 $0x0;
	[sflag:s18] =	ssyncadd.s32 $0xFFFFEE00  }
0x68: {  	v0 =	vld [tilespmem:s23+$0xB270]  }
0x69: {  	v2 =	vld [tilespmem:s23+$0xB200]  }
0x6a: {  	v4 =	vld [tilespmem:s23+$0xB210]  }
0x6b: {  	v5 =	vld [tilespmem:s23+$0xB220]  }
0x6c: {  	v8 =	vld [tilespmem:s23+$0xB230]  }
0x6d: {  	v9 =	vimm.f32 $0.0e+00;
	v3 =	vimm.f32 $0.0e+00;
	v6 =	vld [tilespmem:s23+$0xB240]  }
0x6e: {  	v10 =	vimm.f32 $0.0e+00;
	v7 =	vimm.f32 $0.0e+00;
	v11 =	vld [tilespmem:s23+$0xB250];
	v1 =	vadd.f32 v0, v3  }
0x6f: {  	s24 =	simm.s32 $0x80;
	s25 =	simm.s32 $0x400;
	v12 =	vld [tilespmem:s23+$0xB260];
	v0 =	vadd.f32 v2, v3;
	v2 =	vadd.f32 v4, v3;
	v4 =	vimm.f32 $0.0e+00  }
.LBB2_7:
0x70: {  	p0 =	sne.s32 s25, $0x7E00;
	v13 =	vld [tilespmem:s24+$0xB270];
	v3 =	vadd.f32 v5, v3  }
0x71: {  	v14 =	vld [tilespmem:s24+$0xB200];
	v4 =	vadd.f32 v8, v4  }
0x72: {  	v15 =	vld [tilespmem:s24+$0xB210];
	v9 =	vadd.f32 v6, v9  }
.Ltmp2:
0x73: {  	v5 =	vld [tilespmem:s24+$0xB220];
	v10 =	vadd.f32 v11, v10;
	(pc) =	sbr.rel @p0 .LBB2_7-.Ltmp2, $4  }
0x74: {  	v8 =	vld [tilespmem:s24+$0xB230];
	v7 =	vadd.f32 v12, v7  }
0x75: {  	v6 =	vld [tilespmem:s24+$0xB240];
	v1 =	vadd.f32 v13, v1  }
0x76: {  	v0 =	vadd.f32 v14, v0;
	v11 =	vld [tilespmem:s24+$0xB250]  }
0x77: {  	v2 =	vadd.f32 v15, v2;
	v12 =	vld [tilespmem:s24+$0xB260];
	s24 =	sshra.s32 s25, $0x2;
	s25 =	sadd.s32 $0x200, s25  }
0x78: {  	v13 =	vld [tilespmem:s24+$0xB270]  }
0x79: {  	v14 =	vld [tilespmem:s24+$0xB200]  }
0x7a: {  	v15 =	vld [tilespmem:s24+$0xB210]  }
0x7b: {  	v16 =	vld [tilespmem:s24+$0xB220]  }
0x7c: {  	v17 =	vld [tilespmem:s24+$0xB230]  }
0x7d: {  	v18 =	vld [tilespmem:s24+$0xB240]  }
0x7e: {  	v19 =	vld [tilespmem:s24+$0xB250]  }
0x7f: {  	v20 =	vld [tilespmem:s24+$0xB260]  }
0x80: {  	v3 =	vadd.f32 v5, v3;
	v21 =	vld [tilespmem:s23+$0xD270];
	v4 =	vadd.f32 v8, v4  }
0x81: {  	v22 =	vld [tilespmem:s23+$0xD200];
	v5 =	vadd.f32 v6, v9;
	v6 =	vadd.f32 v11, v10  }
0x82: {  	v7 =	vadd.f32 v12, v7;
	v12 =	vld [tilespmem:s23+$0xD210];
	v11 =	vadd.f32 v13, v1  }
0x83: {  	v8 =	vld [tilespmem:s23+$0xD220];
	v13 =	vadd.f32 v14, v0;
	v14 =	vadd.f32 v15, v2  }
0x84: {  	v9 =	vld [tilespmem:s23+$0xD230];
	v3 =	vadd.f32 v16, v3;
	v0 =	vadd.f32 v17, v4  }
0x85: {  	v10 =	vld [tilespmem:s23+$0xD240];
	v4 =	vadd.f32 v18, v5;
	v1 =	vadd.f32 v19, v6  }
0x86: {  	v5 =	vadd.f32 v20, v7;
	v2 =	vadd.f32 v21, v11;
	v11 =	vld [tilespmem:s23+$0xD250]  }
0x87: {  	s24 =	simm.s32 $0x80;
	s25 =	simm.s32 $0x400;
	v6 =	vadd.f32 v22, v13;
	v7 =	vadd.f32 v12, v14;
	v12 =	vld [tilespmem:s23+$0xD260]  }
.LBB2_9:
0x88: {  	p0 =	sne.s32 s25, $0x4600;
	v13 =	vld [tilespmem:s24+$0xD270];
	v3 =	vadd.f32 v8, v3  }
0x89: {  	v14 =	vld [tilespmem:s24+$0xD200];
	v0 =	vadd.f32 v9, v0  }
0x8a: {  	v15 =	vld [tilespmem:s24+$0xD210];
	v4 =	vadd.f32 v10, v4  }
.Ltmp3:
0x8b: {  	v8 =	vld [tilespmem:s24+$0xD220];
	v1 =	vadd.f32 v11, v1;
	(pc) =	sbr.rel @p0 .LBB2_9-.Ltmp3, $4  }
0x8c: {  	v9 =	vld [tilespmem:s24+$0xD230];
	v5 =	vadd.f32 v12, v5  }
0x8d: {  	v10 =	vld [tilespmem:s24+$0xD240];
	v2 =	vadd.f32 v13, v2  }
0x8e: {  	v6 =	vadd.f32 v14, v6;
	v11 =	vld [tilespmem:s24+$0xD250]  }
0x8f: {  	v7 =	vadd.f32 v15, v7;
	v12 =	vld [tilespmem:s24+$0xD260];
	s24 =	sshra.s32 s25, $0x2;
	s25 =	sadd.s32 $0x200, s25  }
0x90: {  	v13 =	vld [tilespmem:s24+$0xD270]  }
0x91: {  	v14 =	vld [tilespmem:s24+$0xD200]  }
0x92: {  	v15 =	vld [tilespmem:s24+$0xD210]  }
0x93: {  	v16 =	vld [tilespmem:s24+$0xD220]  }
0x94: {  	v17 =	vld [tilespmem:s24+$0xD240]  }
0x95: {  	v3 =	vadd.f32 v8, v3;
	v61 =	vld [tilespmem:s24+$0xD250]  }
0x96: {  	v63 =	vld [tilespmem:s24+$0xD230];
	v0 =	vadd.f32 v9, v0;
	v4 =	vadd.f32 v10, v4  }
0x97: {  	v62 =	vld [tilespmem:s24+$0xD260];
	v1 =	vadd.f32 v11, v1;
	v5 =	vadd.f32 v12, v5  }
0x98: {  	v2 =	vadd.f32 v13, v2;
	v6 =	vadd.f32 v14, v6  }
0x99: {  	v7 =	vadd.f32 v15, v7;
	v4 =	vadd.f32 v17, v4  }
0x9a: {  	s21 =	sadd.s32 $0x1, s21;
	v3 =	vadd.f32 v16, v3;
	v1 =	vadd.f32 v61, v1  }
0x9b: {  	s22 =	sshll.u32 s22, $0x6;
	p0 =	sne.s32 s21, $0x40;
	v0 =	vadd.f32 v63, v0;
	v4 =	vadd.f32 v4, v6  }
.Ltmp4:
0x9c: {  	s22 =	sand.u32 $0x3FFFFFC0, s22;
	v5 =	vadd.f32 v62, v5;
	v1 =	vadd.f32 v1, v7;
	(pc) =	sbr.rel @p0 .LBB2_2-.Ltmp4, $4  }
0x9d: {  	v0 =	vadd.f32 v2, v0;
	[tilespmem:s22+$0xE400] =	vst v4  }
0x9e: {  	v3 =	vadd.f32 v5, v3;
	[tilespmem:s22+$0xE410] =	vst v1  }
0x9f: {  	[tilespmem:s22+$0xE430] =	vst v0  }
0xa0: {  	[tilespmem:s22+$0xE420] =	vst v3  }
0xa1: {  	s20 =	sadd.s32 $0x1, s20  }
0xa2: {  	p0 =	sne.s32 s20, s7  }
.Ltmp5:
0xa3: {  	_ = 	snop;
	(pc) =	sbr.rel @p0 .LBB2_1-.Ltmp5, $4  }
0xa4: {  	[hbm4b:s6+s2] =	stream.linear.scatter [tilespmem:s19], [sflag:$0x3], $0x2000, $0x38;
	[tilespmem:$0x10400] =	vst v63  }
0xa5: {  	_ =	swait.ge [sflag:s8], $0x2000  }
0xa6: {  	[sflag:s8] =	ssyncset.done $0x0  }
0xa7: {  	[sflag:s8] =	ssyncadd.s32 $0xFFFFE000  }
0xa8: {  	_ =	sfence.sel $0x180000  }
0xa9: {  	[bflag:$0x0] =	sbarrier.arrive $0xFFFF  }
0xaa: {  	p0 =	sne.s32 s1, $0x0;
	_ =	strace $0x90000047  }
0xab: {  	s0 =	sadd.s32 @!p0 $0x100000, s0;
	[bflag:$0x2] =	sbarrier.arrive $0xFFFF  }
0xac: {  	[sflag:s0] =	ssyncadd.tile.s32 @!p0 $0x1;
	_ =	shalt  }
.Lfunc_end2:
_tile_overlayer_lowered:
.L_overlay_start_2:
0xad: {  	(tag) =	ssettag $0x2  }
0xae: {  	s0 =	rddreg [dreg:$0x0];
	s2 =	stileid.u32  }
0xaf: {  	s1 =	rddreg [dreg:$0x1];
	p0 =	sne.s32 s2, $0x0  }
0xb0: {  	s3 =	rddreg [dreg:$0x2];
	[bflag:$0x3] =	sbarrier.arrive $0xFFFF;
	s2 =	simm.s32 @!p0 $0x1C03  }
0xb1: {  	[timem:s3], [sflag:s2] =	dma.local @!p0 [hbm:s0], s1  }
0xb2: {  	s0 =	simm.s32 @!p0 $0x3  }
0xb3: {  	_ =	swait.ge @!p0 [sflag:s0], s1  }
0xb4: {  	s1 =	ssub.s32 @!p0 $0x0, s1;
	[sflag:s0] =	ssyncset.done @!p0 $0x0  }
0xb5: {  	[sflag:s0] =	ssyncadd.s32 @!p0 s1  }
0xb6: {  	[bflag:$0x3] =	sbarrier.arrive $0xFFFF  }
0xb7: {  	_ =	shalt  }

</sc_bundles>
